<compile_context>
chip_gen: v7x
topology: tpu7x:2x2x1
jax: 0.10.2.dev20260603
libtpu: 0.0.44.dev20260713+nightly
codegen_flags: <defaults>
</compile_context>

<pallas_src>
import jax
import jax.numpy as jnp
from jax import lax
from jax.experimental import pallas as pl
from jax.experimental.pallas import tpu as pltpu
from jax.experimental.pallas import tpu_sc as plsc

N_TABLES = 26
NUM_ROWS = 100000
DIM = 64
BATCH = 1024
BAG = 20

NW = 32
BAGS_PW = BATCH // NW
IDX_PW = BAGS_PW * BAG
IDX_ALL = N_TABLES * IDX_PW


def _body(idx_hbm, wt_hbm, out_hbm, idx_v, rows_v, out_v, sem):
    cid = lax.axis_index("c")
    sid = lax.axis_index("s")
    wid = sid * 2 + cid

    ibase = pl.multiple_of(wid * IDX_ALL, 8)
    pltpu.sync_copy(idx_hbm.at[pl.ds(ibase, IDX_ALL)], idx_v)

    def lin_step(t, carry):
        off = (t * NUM_ROWS).astype(jnp.int32)
        tb = t * IDX_PW
        for c in range(IDX_PW // 16):
            s = pl.ds(tb + c * 16, 16)
            idx_v[s] = idx_v[s] + off
        return carry

    lax.fori_loop(0, N_TABLES, lin_step, 0)

    ROWS_PS = IDX_PW // 2
    BAGS_PS = BAGS_PW // 2
    NSTEP = 2 * N_TABLES

    def g_copy(s, par):
        return (wt_hbm.at[idx_v.at[pl.ds(s * ROWS_PS, ROWS_PS)]],
                rows_v.at[pl.ds(par * ROWS_PS, ROWS_PS)])

    fire0 = g_copy(0, 0)
    pltpu.async_copy(fire0[0], fire0[1], sem)

    def s_step(s, carry):
        par = s % 2
        src, dst = g_copy(s, par)
        pltpu.make_async_copy(src, dst, sem).wait()

        @pl.when(s + 1 < NSTEP)
        def _():
            src2, dst2 = g_copy(s + 1, 1 - par)
            pltpu.async_copy(src2, dst2, sem)

        def bag_step(b, carry2):
            rb = par * ROWS_PS + b * BAG
            for c in range(DIM // 16):
                sl = pl.ds(c * 16, 16)
                acc = rows_v[rb, sl]
                for k in range(1, BAG):
                    acc = acc + rows_v[rb + k, sl]
                out_v[b, sl] = acc
            return carry2

        lax.fori_loop(0, BAGS_PS, bag_step, 0)
        t = s // 2
        obase = wid * BAGS_PW + (s % 2) * BAGS_PS
        pltpu.sync_copy(out_v, out_hbm.at[t].at[pl.ds(obase, BAGS_PS)])
        return carry

    lax.fori_loop(0, NSTEP, s_step, 0)


@jax.jit
def _run(idx_wm, wt_merged):
    mesh = plsc.VectorSubcoreMesh(core_axis_name="c", subcore_axis_name="s")
    f = pl.kernel(
        _body,
        out_type=jax.ShapeDtypeStruct((N_TABLES, BATCH, DIM), jnp.float32),
        mesh=mesh,
        scratch_types=[
            pltpu.VMEM((IDX_ALL,), jnp.int32),
            pltpu.VMEM((IDX_PW, DIM), jnp.float32),
            pltpu.VMEM((BAGS_PW // 2, DIM), jnp.float32),
            pltpu.SemaphoreType.DMA,
        ],
        compiler_params=pltpu.CompilerParams(use_tc_tiling_on_sc=False),
    )
    return f(idx_wm, wt_merged)


def kernel(indices, weights):
    idx_wm = (indices.astype(jnp.int32)
              .reshape(N_TABLES, NW, BAGS_PW * BAG)
              .transpose(1, 0, 2)
              .reshape(N_TABLES * BATCH * BAG))
    wt_merged = weights.reshape(N_TABLES * NUM_ROWS, DIM)
    return _run(idx_wm, wt_merged)

# --- scband reference (transcript-rebuilt; emitter-appended) ---
"""Pipeline reference for scband-merged-embedding-bag-16527034155603 (READ-ONLY COPY).

The authoritative reference and input builder live on the scoring server;
editing this copy changes nothing except your own understanding.
"""

import jax, jax.numpy as jnp
import numpy as np

N_TABLES = 26
NUM_ROWS = 100000
DIM = 64
BATCH = 1024
BAG = 20

def setup_inputs(seed: int = 0) -> dict:
    key = jax.random.key(seed)
    k1, k2 = jax.random.split(key)
    # 2-D (per-table) indices case: each table gets [BATCH, BAG] indices, offsets are implicit
    indices = jax.random.randint(k1, (N_TABLES, BATCH, BAG), 0, NUM_ROWS).astype(jnp.int64)
    # learned parameters: all 26 tables have identical shape, stack into one tensor
    weights = jax.random.normal(k2, (N_TABLES, NUM_ROWS, DIM), dtype=jnp.float32) * 0.01
    return {"indices": indices, "weights": weights}

def reference(indices, weights):
    # Faithful MergedEmbeddingBag: linearize per-table indices with row_offsets
    # (table i index j -> j + i*NUM_ROWS), gather from the merged logical table,
    # then pool each bag with SUM (pooling_modes all 'sum').
    row_offsets = (jnp.arange(N_TABLES) * NUM_ROWS).astype(indices.dtype)
    lin = indices + row_offsets[:, None, None]  # merged_indices_with_row_offsets
    merged_weight = weights.reshape(N_TABLES * NUM_ROWS, DIM)
    gathered = jnp.take(merged_weight, lin.reshape(-1), axis=0)
    gathered = gathered.reshape(N_TABLES, BATCH, BAG, DIM)
    out = gathered.sum(axis=2)  # SUM pooling per bag
    return out  # [N_TABLES, BATCH, DIM] == list of per-table EmbeddingBag outputs

if __name__ == "__main__":
    import jax
    _d = setup_inputs()
    print(jax.jit(kernel)(*tuple(_d.values())))

</pallas_src>

<mosaic_0001>
#map = affine_map<(d0, d1) -> (0)>
#map1 = affine_map<(d0, d1) -> (0, 0)>
#map2 = affine_map<(d0, d1) -> (0, 0, 0)>
module attributes {stable_mosaic.version = 14 : i64} {
  func.func @_body(%arg0: i32, %arg1: i32, %arg2: memref<532480xi32, #tpu.memory_space<hbm>>, %arg3: memref<2600000x64xf32, #tpu.memory_space<hbm>>, %arg4: memref<26x1024x64xf32, #tpu.memory_space<hbm>>, %arg5: memref<16640xi32, #tpu.memory_space<vmem>>, %arg6: memref<640x64xf32, #tpu.memory_space<vmem>>, %arg7: memref<16x64xf32, #tpu.memory_space<vmem>>, %arg8: memref<!tpu.dma_semaphore, #tpu.memory_space<semaphore_mem>>) attributes {dimension_semantics = [#tpu.dimension_semantics<core_parallel>, #tpu.dimension_semantics<subcore_parallel>], iteration_bounds = array<i64: 2, 16>, scalar_prefetch = 0 : i64, scratch_operands = 4 : i64, tpu.core_type = #tpu.core_type<sc_vector_subcore>, window_params = [{transform_indices = #map}, {transform_indices = #map1}, {transform_indices = #map2}]} {
    %mul3A = arith.constant 2 : i32
    %mul3A_0 = arith.muli %arg1, %mul3A : i32
    %add3A = arith.addi %mul3A_0, %arg0 : i32
    %mul3A_1 = arith.constant 16640 : i32
    %mul3A_2 = arith.muli %add3A, %mul3A_1 : i32
    %multiple_of3A = tpu.assume_multiple %mul3A_2, 8 : i32
    "tpu.region"() ({
      %run_scoped3A = tpu.sem_alloc : memref<!tpu.dma_semaphore, #tpu.memory_space<semaphore_mem>>
      %dma_start3A_21 = tpu.memref_slice %arg2[%multiple_of3A] : memref<532480xi32, #tpu.memory_space<hbm>> -> memref<16640xi32, #tpu.memory_space<hbm>>
      %dma_start3A_22 = tpu.memref_slice %arg2[%multiple_of3A] : memref<532480xi32, #tpu.memory_space<hbm>> -> memref<16640xi32, #tpu.memory_space<hbm>>
      tpu.enqueue_dma source(%dma_start3A_22 : memref<16640xi32, #tpu.memory_space<hbm>>) target(%arg5 : memref<16640xi32, #tpu.memory_space<vmem>>) target_semaphore(%run_scoped3A : memref<!tpu.dma_semaphore, #tpu.memory_space<semaphore_mem>>)
      %dma_wait3A = tpu.memref_slice %arg2[%multiple_of3A] : memref<532480xi32, #tpu.memory_space<hbm>> -> memref<16640xi32, #tpu.memory_space<hbm>>
      %dma_wait3A_23 = tpu.memref_slice %arg2[%multiple_of3A] : memref<532480xi32, #tpu.memory_space<hbm>> -> memref<16640xi32, #tpu.memory_space<hbm>>
      tpu.wait_dma2 semaphore(%run_scoped3A : memref<!tpu.dma_semaphore, #tpu.memory_space<semaphore_mem>>) src(%dma_wait3A_23 : memref<16640xi32, #tpu.memory_space<hbm>>) dst(%arg5 : memref<16640xi32, #tpu.memory_space<vmem>>)
      tpu.yield
    }) : () -> ()
    %scan3A = arith.constant 0 : i32
    %scan3A_3 = arith.constant 0 : i32
    %scan3A_4 = arith.constant 26 : i32
    %scan3A_5 = arith.addi %scan3A_3, %scan3A_4 : i32
    %scan3A_6 = arith.constant 1 : i32
    scf.for %scan3A_21 = %scan3A_3 to %scan3A_5 step %scan3A_6  : i32 {
      %mul3A_22 = arith.constant 100000 : i32
      %mul3A_23 = arith.muli %scan3A_21, %mul3A_22 : i32
      %mul3A_24 = arith.constant 640 : i32
      %mul3A_25 = arith.muli %scan3A_21, %mul3A_24 : i32
      %add3A_26 = arith.constant 0 : i32
      %add3A_27 = arith.addi %mul3A_25, %add3A_26 : i32
      %get3A = arith.index_cast %add3A_27 : i32 to index
      %get3A_28 = tpu.vector_load %arg5[%get3A] {strides = array<i32>} : memref<16640xi32, #tpu.memory_space<vmem>>, vector<16xi32>,
      %get3A_29 = vector.shape_cast %get3A_28 : vector<16xi32> to vector<16xi32>
      %add3A_30 = vector.broadcast %mul3A_23 : i32 to vector<16xi32>
      %add3A_31 = arith.addi %get3A_29, %add3A_30 : vector<16xi32>
      %swap3A = arith.index_cast %add3A_27 : i32 to index
      %swap3A_32 = tpu.vector_load %arg5[%swap3A] {strides = array<i32>} : memref<16640xi32, #tpu.memory_space<vmem>>, vector<16xi32>,
      %swap3A_33 = vector.shape_cast %swap3A_32 : vector<16xi32> to vector<16xi32>
      %swap3A_34 = vector.shape_cast %add3A_31 : vector<16xi32> to vector<16xi32>
      tpu.vector_store %arg5[%swap3A], %swap3A_34 {strides = array<i32>} : memref<16640xi32, #tpu.memory_space<vmem>>, vector<16xi32>,
      %add3A_35 = arith.constant 16 : i32
      %add3A_36 = arith.addi %mul3A_25, %add3A_35 : i32
      %get3A_37 = arith.index_cast %add3A_36 : i32 to index
      %get3A_38 = tpu.vector_load %arg5[%get3A_37] {strides = array<i32>} : memref<16640xi32, #tpu.memory_space<vmem>>, vector<16xi32>,
      %get3A_39 = vector.shape_cast %get3A_38 : vector<16xi32> to vector<16xi32>
      %add3A_40 = vector.broadcast %mul3A_23 : i32 to vector<16xi32>
      %add3A_41 = arith.addi %get3A_39, %add3A_40 : vector<16xi32>
      %swap3A_42 = arith.index_cast %add3A_36 : i32 to index
      %swap3A_43 = tpu.vector_load %arg5[%swap3A_42] {strides = array<i32>} : memref<16640xi32, #tpu.memory_space<vmem>>, vector<16xi32>,
      %swap3A_44 = vector.shape_cast %swap3A_43 : vector<16xi32> to vector<16xi32>
      %swap3A_45 = vector.shape_cast %add3A_41 : vector<16xi32> to vector<16xi32>
      tpu.vector_store %arg5[%swap3A_42], %swap3A_45 {strides = array<i32>} : memref<16640xi32, #tpu.memory_space<vmem>>, vector<16xi32>,
      %add3A_46 = arith.constant 32 : i32
      %add3A_47 = arith.addi %mul3A_25, %add3A_46 : i32
      %get3A_48 = arith.index_cast %add3A_47 : i32 to index
      %get3A_49 = tpu.vector_load %arg5[%get3A_48] {strides = array<i32>} : memref<16640xi32, #tpu.memory_space<vmem>>, vector<16xi32>,
      %get3A_50 = vector.shape_cast %get3A_49 : vector<16xi32> to vector<16xi32>
      %add3A_51 = vector.broadcast %mul3A_23 : i32 to vector<16xi32>
      %add3A_52 = arith.addi %get3A_50, %add3A_51 : vector<16xi32>
      %swap3A_53 = arith.index_cast %add3A_47 : i32 to index
      %swap3A_54 = tpu.vector_load %arg5[%swap3A_53] {strides = array<i32>} : memref<16640xi32, #tpu.memory_space<vmem>>, vector<16xi32>,
      %swap3A_55 = vector.shape_cast %swap3A_54 : vector<16xi32> to vector<16xi32>
      %swap3A_56 = vector.shape_cast %add3A_52 : vector<16xi32> to vector<16xi32>
      tpu.vector_store %arg5[%swap3A_53], %swap3A_56 {strides = array<i32>} : memref<16640xi32, #tpu.memory_space<vmem>>, vector<16xi32>,
      %add3A_57 = arith.constant 48 : i32
      %add3A_58 = arith.addi %mul3A_25, %add3A_57 : i32
      %get3A_59 = arith.index_cast %add3A_58 : i32 to index
      %get3A_60 = tpu.vector_load %arg5[%get3A_59] {strides = array<i32>} : memref<16640xi32, #tpu.memory_space<vmem>>, vector<16xi32>,
      %get3A_61 = vector.shape_cast %get3A_60 : vector<16xi32> to vector<16xi32>
      %add3A_62 = vector.broadcast %mul3A_23 : i32 to vector<16xi32>
      %add3A_63 = arith.addi %get3A_61, %add3A_62 : vector<16xi32>
      %swap3A_64 = arith.index_cast %add3A_58 : i32 to index
      %swap3A_65 = tpu.vector_load %arg5[%swap3A_64] {strides = array<i32>} : memref<16640xi32, #tpu.memory_space<vmem>>, vector<16xi32>,
      %swap3A_66 = vector.shape_cast %swap3A_65 : vector<16xi32> to vector<16xi32>
      %swap3A_67 = vector.shape_cast %add3A_63 : vector<16xi32> to vector<16xi32>
      tpu.vector_store %arg5[%swap3A_64], %swap3A_67 {strides = array<i32>} : memref<16640xi32, #tpu.memory_space<vmem>>, vector<16xi32>,
      %add3A_68 = arith.constant 64 : i32
      %add3A_69 = arith.addi %mul3A_25, %add3A_68 : i32
      %get3A_70 = arith.index_cast %add3A_69 : i32 to index
      %get3A_71 = tpu.vector_load %arg5[%get3A_70] {strides = array<i32>} : memref<16640xi32, #tpu.memory_space<vmem>>, vector<16xi32>,
      %get3A_72 = vector.shape_cast %get3A_71 : vector<16xi32> to vector<16xi32>
      %add3A_73 = vector.broadcast %mul3A_23 : i32 to vector<16xi32>
      %add3A_74 = arith.addi %get3A_72, %add3A_73 : vector<16xi32>
      %swap3A_75 = arith.index_cast %add3A_69 : i32 to index
      %swap3A_76 = tpu.vector_load %arg5[%swap3A_75] {strides = array<i32>} : memref<16640xi32, #tpu.memory_space<vmem>>, vector<16xi32>,
      %swap3A_77 = vector.shape_cast %swap3A_76 : vector<16xi32> to vector<16xi32>
      %swap3A_78 = vector.shape_cast %add3A_74 : vector<16xi32> to vector<16xi32>
      tpu.vector_store %arg5[%swap3A_75], %swap3A_78 {strides = array<i32>} : memref<16640xi32, #tpu.memory_space<vmem>>, vector<16xi32>,
      %add3A_79 = arith.constant 80 : i32
      %add3A_80 = arith.addi %mul3A_25, %add3A_79 : i32
      %get3A_81 = arith.index_cast %add3A_80 : i32 to index
      %get3A_82 = tpu.vector_load %arg5[%get3A_81] {strides = array<i32>} : memref<16640xi32, #tpu.memory_space<vmem>>, vector<16xi32>,
      %get3A_83 = vector.shape_cast %get3A_82 : vector<16xi32> to vector<16xi32>
      %add3A_84 = vector.broadcast %mul3A_23 : i32 to vector<16xi32>
      %add3A_85 = arith.addi %get3A_83, %add3A_84 : vector<16xi32>
      %swap3A_86 = arith.index_cast %add3A_80 : i32 to index
      %swap3A_87 = tpu.vector_load %arg5[%swap3A_86] {strides = array<i32>} : memref<16640xi32, #tpu.memory_space<vmem>>, vector<16xi32>,
      %swap3A_88 = vector.shape_cast %swap3A_87 : vector<16xi32> to vector<16xi32>
      %swap3A_89 = vector.shape_cast %add3A_85 : vector<16xi32> to vector<16xi32>
      tpu.vector_store %arg5[%swap3A_86], %swap3A_89 {strides = array<i32>} : memref<16640xi32, #tpu.memory_space<vmem>>, vector<16xi32>,
      %add3A_90 = arith.constant 96 : i32
      %add3A_91 = arith.addi %mul3A_25, %add3A_90 : i32
      %get3A_92 = arith.index_cast %add3A_91 : i32 to index
      %get3A_93 = tpu.vector_load %arg5[%get3A_92] {strides = array<i32>} : memref<16640xi32, #tpu.memory_space<vmem>>, vector<16xi32>,
      %get3A_94 = vector.shape_cast %get3A_93 : vector<16xi32> to vector<16xi32>
      %add3A_95 = vector.broadcast %mul3A_23 : i32 to vector<16xi32>
      %add3A_96 = arith.addi %get3A_94, %add3A_95 : vector<16xi32>
      %swap3A_97 = arith.index_cast %add3A_91 : i32 to index
      %swap3A_98 = tpu.vector_load %arg5[%swap3A_97] {strides = array<i32>} : memref<16640xi32, #tpu.memory_space<vmem>>, vector<16xi32>,
      %swap3A_99 = vector.shape_cast %swap3A_98 : vector<16xi32> to vector<16xi32>
      %swap3A_100 = vector.shape_cast %add3A_96 : vector<16xi32> to vector<16xi32>
      tpu.vector_store %arg5[%swap3A_97], %swap3A_100 {strides = array<i32>} : memref<16640xi32, #tpu.memory_space<vmem>>, vector<16xi32>,
      %add3A_101 = arith.constant 112 : i32
      %add3A_102 = arith.addi %mul3A_25, %add3A_101 : i32
      %get3A_103 = arith.index_cast %add3A_102 : i32 to index
      %get3A_104 = tpu.vector_load %arg5[%get3A_103] {strides = array<i32>} : memref<16640xi32, #tpu.memory_space<vmem>>, vector<16xi32>,
      %get3A_105 = vector.shape_cast %get3A_104 : vector<16xi32> to vector<16xi32>
      %add3A_106 = vector.broadcast %mul3A_23 : i32 to vector<16xi32>
      %add3A_107 = arith.addi %get3A_105, %add3A_106 : vector<16xi32>
      %swap3A_108 = arith.index_cast %add3A_102 : i32 to index
      %swap3A_109 = tpu.vector_load %arg5[%swap3A_108] {strides = array<i32>} : memref<16640xi32, #tpu.memory_space<vmem>>, vector<16xi32>,
      %swap3A_110 = vector.shape_cast %swap3A_109 : vector<16xi32> to vector<16xi32>
      %swap3A_111 = vector.shape_cast %add3A_107 : vector<16xi32> to vector<16xi32>
      tpu.vector_store %arg5[%swap3A_108], %swap3A_111 {strides = array<i32>} : memref<16640xi32, #tpu.memory_space<vmem>>, vector<16xi32>,
      %add3A_112 = arith.constant 128 : i32
      %add3A_113 = arith.addi %mul3A_25, %add3A_112 : i32
      %get3A_114 = arith.index_cast %add3A_113 : i32 to index
      %get3A_115 = tpu.vector_load %arg5[%get3A_114] {strides = array<i32>} : memref<16640xi32, #tpu.memory_space<vmem>>, vector<16xi32>,
      %get3A_116 = vector.shape_cast %get3A_115 : vector<16xi32> to vector<16xi32>
      %add3A_117 = vector.broadcast %mul3A_23 : i32 to vector<16xi32>
      %add3A_118 = arith.addi %get3A_116, %add3A_117 : vector<16xi32>
      %swap3A_119 = arith.index_cast %add3A_113 : i32 to index
      %swap3A_120 = tpu.vector_load %arg5[%swap3A_119] {strides = array<i32>} : memref<16640xi32, #tpu.memory_space<vmem>>, vector<16xi32>,
      %swap3A_121 = vector.shape_cast %swap3A_120 : vector<16xi32> to vector<16xi32>
      %swap3A_122 = vector.shape_cast %add3A_118 : vector<16xi32> to vector<16xi32>
      tpu.vector_store %arg5[%swap3A_119], %swap3A_122 {strides = array<i32>} : memref<16640xi32, #tpu.memory_space<vmem>>, vector<16xi32>,
      %add3A_123 = arith.constant 144 : i32
      %add3A_124 = arith.addi %mul3A_25, %add3A_123 : i32
      %get3A_125 = arith.index_cast %add3A_124 : i32 to index
      %get3A_126 = tpu.vector_load %arg5[%get3A_125] {strides = array<i32>} : memref<16640xi32, #tpu.memory_space<vmem>>, vector<16xi32>,
      %get3A_127 = vector.shape_cast %get3A_126 : vector<16xi32> to vector<16xi32>
      %add3A_128 = vector.broadcast %mul3A_23 : i32 to vector<16xi32>
      %add3A_129 = arith.addi %get3A_127, %add3A_128 : vector<16xi32>
      %swap3A_130 = arith.index_cast %add3A_124 : i32 to index
      %swap3A_131 = tpu.vector_load %arg5[%swap3A_130] {strides = array<i32>} : memref<16640xi32, #tpu.memory_space<vmem>>, vector<16xi32>,
      %swap3A_132 = vector.shape_cast %swap3A_131 : vector<16xi32> to vector<16xi32>
      %swap3A_133 = vector.shape_cast %add3A_129 : vector<16xi32> to vector<16xi32>
      tpu.vector_store %arg5[%swap3A_130], %swap3A_133 {strides = array<i32>} : memref<16640xi32, #tpu.memory_space<vmem>>, vector<16xi32>,
      %add3A_134 = arith.constant 160 : i32
      %add3A_135 = arith.addi %mul3A_25, %add3A_134 : i32
      %get3A_136 = arith.index_cast %add3A_135 : i32 to index
      %get3A_137 = tpu.vector_load %arg5[%get3A_136] {strides = array<i32>} : memref<16640xi32, #tpu.memory_space<vmem>>, vector<16xi32>,
      %get3A_138 = vector.shape_cast %get3A_137 : vector<16xi32> to vector<16xi32>
      %add3A_139 = vector.broadcast %mul3A_23 : i32 to vector<16xi32>
      %add3A_140 = arith.addi %get3A_138, %add3A_139 : vector<16xi32>
      %swap3A_141 = arith.index_cast %add3A_135 : i32 to index
      %swap3A_142 = tpu.vector_load %arg5[%swap3A_141] {strides = array<i32>} : memref<16640xi32, #tpu.memory_space<vmem>>, vector<16xi32>,
      %swap3A_143 = vector.shape_cast %swap3A_142 : vector<16xi32> to vector<16xi32>
      %swap3A_144 = vector.shape_cast %add3A_140 : vector<16xi32> to vector<16xi32>
      tpu.vector_store %arg5[%swap3A_141], %swap3A_144 {strides = array<i32>} : memref<16640xi32, #tpu.memory_space<vmem>>, vector<16xi32>,
      %add3A_145 = arith.constant 176 : i32
      %add3A_146 = arith.addi %mul3A_25, %add3A_145 : i32
      %get3A_147 = arith.index_cast %add3A_146 : i32 to index
      %get3A_148 = tpu.vector_load %arg5[%get3A_147] {strides = array<i32>} : memref<16640xi32, #tpu.memory_space<vmem>>, vector<16xi32>,
      %get3A_149 = vector.shape_cast %get3A_148 : vector<16xi32> to vector<16xi32>
      %add3A_150 = vector.broadcast %mul3A_23 : i32 to vector<16xi32>
      %add3A_151 = arith.addi %get3A_149, %add3A_150 : vector<16xi32>
      %swap3A_152 = arith.index_cast %add3A_146 : i32 to index
      %swap3A_153 = tpu.vector_load %arg5[%swap3A_152] {strides = array<i32>} : memref<16640xi32, #tpu.memory_space<vmem>>, vector<16xi32>,
      %swap3A_154 = vector.shape_cast %swap3A_153 : vector<16xi32> to vector<16xi32>
      %swap3A_155 = vector.shape_cast %add3A_151 : vector<16xi32> to vector<16xi32>
      tpu.vector_store %arg5[%swap3A_152], %swap3A_155 {strides = array<i32>} : memref<16640xi32, #tpu.memory_space<vmem>>, vector<16xi32>,
      %add3A_156 = arith.constant 192 : i32
      %add3A_157 = arith.addi %mul3A_25, %add3A_156 : i32
      %get3A_158 = arith.index_cast %add3A_157 : i32 to index
      %get3A_159 = tpu.vector_load %arg5[%get3A_158] {strides = array<i32>} : memref<16640xi32, #tpu.memory_space<vmem>>, vector<16xi32>,
      %get3A_160 = vector.shape_cast %get3A_159 : vector<16xi32> to vector<16xi32>
      %add3A_161 = vector.broadcast %mul3A_23 : i32 to vector<16xi32>
      %add3A_162 = arith.addi %get3A_160, %add3A_161 : vector<16xi32>
      %swap3A_163 = arith.index_cast %add3A_157 : i32 to index
      %swap3A_164 = tpu.vector_load %arg5[%swap3A_163] {strides = array<i32>} : memref<16640xi32, #tpu.memory_space<vmem>>, vector<16xi32>,
      %swap3A_165 = vector.shape_cast %swap3A_164 : vector<16xi32> to vector<16xi32>
      %swap3A_166 = vector.shape_cast %add3A_162 : vector<16xi32> to vector<16xi32>
      tpu.vector_store %arg5[%swap3A_163], %swap3A_166 {strides = array<i32>} : memref<16640xi32, #tpu.memory_space<vmem>>, vector<16xi32>,
      %add3A_167 = arith.constant 208 : i32
      %add3A_168 = arith.addi %mul3A_25, %add3A_167 : i32
      %get3A_169 = arith.index_cast %add3A_168 : i32 to index
      %get3A_170 = tpu.vector_load %arg5[%get3A_169] {strides = array<i32>} : memref<16640xi32, #tpu.memory_space<vmem>>, vector<16xi32>,
      %get3A_171 = vector.shape_cast %get3A_170 : vector<16xi32> to vector<16xi32>
      %add3A_172 = vector.broadcast %mul3A_23 : i32 to vector<16xi32>
      %add3A_173 = arith.addi %get3A_171, %add3A_172 : vector<16xi32>
      %swap3A_174 = arith.index_cast %add3A_168 : i32 to index
      %swap3A_175 = tpu.vector_load %arg5[%swap3A_174] {strides = array<i32>} : memref<16640xi32, #tpu.memory_space<vmem>>, vector<16xi32>,
      %swap3A_176 = vector.shape_cast %swap3A_175 : vector<16xi32> to vector<16xi32>
      %swap3A_177 = vector.shape_cast %add3A_173 : vector<16xi32> to vector<16xi32>
      tpu.vector_store %arg5[%swap3A_174], %swap3A_177 {strides = array<i32>} : memref<16640xi32, #tpu.memory_space<vmem>>, vector<16xi32>,
      %add3A_178 = arith.constant 224 : i32
      %add3A_179 = arith.addi %mul3A_25, %add3A_178 : i32
      %get3A_180 = arith.index_cast %add3A_179 : i32 to index
      %get3A_181 = tpu.vector_load %arg5[%get3A_180] {strides = array<i32>} : memref<16640xi32, #tpu.memory_space<vmem>>, vector<16xi32>,
      %get3A_182 = vector.shape_cast %get3A_181 : vector<16xi32> to vector<16xi32>
      %add3A_183 = vector.broadcast %mul3A_23 : i32 to vector<16xi32>
      %add3A_184 = arith.addi %get3A_182, %add3A_183 : vector<16xi32>
      %swap3A_185 = arith.index_cast %add3A_179 : i32 to index
      %swap3A_186 = tpu.vector_load %arg5[%swap3A_185] {strides = array<i32>} : memref<16640xi32, #tpu.memory_space<vmem>>, vector<16xi32>,
      %swap3A_187 = vector.shape_cast %swap3A_186 : vector<16xi32> to vector<16xi32>
      %swap3A_188 = vector.shape_cast %add3A_184 : vector<16xi32> to vector<16xi32>
      tpu.vector_store %arg5[%swap3A_185], %swap3A_188 {strides = array<i32>} : memref<16640xi32, #tpu.memory_space<vmem>>, vector<16xi32>,
      %add3A_189 = arith.constant 240 : i32
      %add3A_190 = arith.addi %mul3A_25, %add3A_189 : i32
      %get3A_191 = arith.index_cast %add3A_190 : i32 to index
      %get3A_192 = tpu.vector_load %arg5[%get3A_191] {strides = array<i32>} : memref<16640xi32, #tpu.memory_space<vmem>>, vector<16xi32>,
      %get3A_193 = vector.shape_cast %get3A_192 : vector<16xi32> to vector<16xi32>
      %add3A_194 = vector.broadcast %mul3A_23 : i32 to vector<16xi32>
      %add3A_195 = arith.addi %get3A_193, %add3A_194 : vector<16xi32>
      %swap3A_196 = arith.index_cast %add3A_190 : i32 to index
      %swap3A_197 = tpu.vector_load %arg5[%swap3A_196] {strides = array<i32>} : memref<16640xi32, #tpu.memory_space<vmem>>, vector<16xi32>,
      %swap3A_198 = vector.shape_cast %swap3A_197 : vector<16xi32> to vector<16xi32>
      %swap3A_199 = vector.shape_cast %add3A_195 : vector<16xi32> to vector<16xi32>
      tpu.vector_store %arg5[%swap3A_196], %swap3A_199 {strides = array<i32>} : memref<16640xi32, #tpu.memory_space<vmem>>, vector<16xi32>,
      %add3A_200 = arith.constant 256 : i32
      %add3A_201 = arith.addi %mul3A_25, %add3A_200 : i32
      %get3A_202 = arith.index_cast %add3A_201 : i32 to index
      %get3A_203 = tpu.vector_load %arg5[%get3A_202] {strides = array<i32>} : memref<16640xi32, #tpu.memory_space<vmem>>, vector<16xi32>,
      %get3A_204 = vector.shape_cast %get3A_203 : vector<16xi32> to vector<16xi32>
      %add3A_205 = vector.broadcast %mul3A_23 : i32 to vector<16xi32>
      %add3A_206 = arith.addi %get3A_204, %add3A_205 : vector<16xi32>
      %swap3A_207 = arith.index_cast %add3A_201 : i32 to index
      %swap3A_208 = tpu.vector_load %arg5[%swap3A_207] {strides = array<i32>} : memref<16640xi32, #tpu.memory_space<vmem>>, vector<16xi32>,
      %swap3A_209 = vector.shape_cast %swap3A_208 : vector<16xi32> to vector<16xi32>
      %swap3A_210 = vector.shape_cast %add3A_206 : vector<16xi32> to vector<16xi32>
      tpu.vector_store %arg5[%swap3A_207], %swap3A_210 {strides = array<i32>} : memref<16640xi32, #tpu.memory_space<vmem>>, vector<16xi32>,
      %add3A_211 = arith.constant 272 : i32
      %add3A_212 = arith.addi %mul3A_25, %add3A_211 : i32
      %get3A_213 = arith.index_cast %add3A_212 : i32 to index
      %get3A_214 = tpu.vector_load %arg5[%get3A_213] {strides = array<i32>} : memref<16640xi32, #tpu.memory_space<vmem>>, vector<16xi32>,
      %get3A_215 = vector.shape_cast %get3A_214 : vector<16xi32> to vector<16xi32>
      %add3A_216 = vector.broadcast %mul3A_23 : i32 to vector<16xi32>
      %add3A_217 = arith.addi %get3A_215, %add3A_216 : vector<16xi32>
      %swap3A_218 = arith.index_cast %add3A_212 : i32 to index
      %swap3A_219 = tpu.vector_load %arg5[%swap3A_218] {strides = array<i32>} : memref<16640xi32, #tpu.memory_space<vmem>>, vector<16xi32>,
      %swap3A_220 = vector.shape_cast %swap3A_219 : vector<16xi32> to vector<16xi32>
      %swap3A_221 = vector.shape_cast %add3A_217 : vector<16xi32> to vector<16xi32>
      tpu.vector_store %arg5[%swap3A_218], %swap3A_221 {strides = array<i32>} : memref<16640xi32, #tpu.memory_space<vmem>>, vector<16xi32>,
      %add3A_222 = arith.constant 288 : i32
      %add3A_223 = arith.addi %mul3A_25, %add3A_222 : i32
      %get3A_224 = arith.index_cast %add3A_223 : i32 to index
      %get3A_225 = tpu.vector_load %arg5[%get3A_224] {strides = array<i32>} : memref<16640xi32, #tpu.memory_space<vmem>>, vector<16xi32>,
      %get3A_226 = vector.shape_cast %get3A_225 : vector<16xi32> to vector<16xi32>
      %add3A_227 = vector.broadcast %mul3A_23 : i32 to vector<16xi32>
      %add3A_228 = arith.addi %get3A_226, %add3A_227 : vector<16xi32>
      %swap3A_229 = arith.index_cast %add3A_223 : i32 to index
      %swap3A_230 = tpu.vector_load %arg5[%swap3A_229] {strides = array<i32>} : memref<16640xi32, #tpu.memory_space<vmem>>, vector<16xi32>,
      %swap3A_231 = vector.shape_cast %swap3A_230 : vector<16xi32> to vector<16xi32>
      %swap3A_232 = vector.shape_cast %add3A_228 : vector<16xi32> to vector<16xi32>
      tpu.vector_store %arg5[%swap3A_229], %swap3A_232 {strides = array<i32>} : memref<16640xi32, #tpu.memory_space<vmem>>, vector<16xi32>,
      %add3A_233 = arith.constant 304 : i32
      %add3A_234 = arith.addi %mul3A_25, %add3A_233 : i32
      %get3A_235 = arith.index_cast %add3A_234 : i32 to index
      %get3A_236 = tpu.vector_load %arg5[%get3A_235] {strides = array<i32>} : memref<16640xi32, #tpu.memory_space<vmem>>, vector<16xi32>,
      %get3A_237 = vector.shape_cast %get3A_236 : vector<16xi32> to vector<16xi32>
      %add3A_238 = vector.broadcast %mul3A_23 : i32 to vector<16xi32>
      %add3A_239 = arith.addi %get3A_237, %add3A_238 : vector<16xi32>
      %swap3A_240 = arith.index_cast %add3A_234 : i32 to index
      %swap3A_241 = tpu.vector_load %arg5[%swap3A_240] {strides = array<i32>} : memref<16640xi32, #tpu.memory_space<vmem>>, vector<16xi32>,
      %swap3A_242 = vector.shape_cast %swap3A_241 : vector<16xi32> to vector<16xi32>
      %swap3A_243 = vector.shape_cast %add3A_239 : vector<16xi32> to vector<16xi32>
      tpu.vector_store %arg5[%swap3A_240], %swap3A_243 {strides = array<i32>} : memref<16640xi32, #tpu.memory_space<vmem>>, vector<16xi32>,
      %add3A_244 = arith.constant 320 : i32
      %add3A_245 = arith.addi %mul3A_25, %add3A_244 : i32
      %get3A_246 = arith.index_cast %add3A_245 : i32 to index
      %get3A_247 = tpu.vector_load %arg5[%get3A_246] {strides = array<i32>} : memref<16640xi32, #tpu.memory_space<vmem>>, vector<16xi32>,
      %get3A_248 = vector.shape_cast %get3A_247 : vector<16xi32> to vector<16xi32>
      %add3A_249 = vector.broadcast %mul3A_23 : i32 to vector<16xi32>
      %add3A_250 = arith.addi %get3A_248, %add3A_249 : vector<16xi32>
      %swap3A_251 = arith.index_cast %add3A_245 : i32 to index
      %swap3A_252 = tpu.vector_load %arg5[%swap3A_251] {strides = array<i32>} : memref<16640xi32, #tpu.memory_space<vmem>>, vector<16xi32>,
      %swap3A_253 = vector.shape_cast %swap3A_252 : vector<16xi32> to vector<16xi32>
      %swap3A_254 = vector.shape_cast %add3A_250 : vector<16xi32> to vector<16xi32>
      tpu.vector_store %arg5[%swap3A_251], %swap3A_254 {strides = array<i32>} : memref<16640xi32, #tpu.memory_space<vmem>>, vector<16xi32>,
      %add3A_255 = arith.constant 336 : i32
      %add3A_256 = arith.addi %mul3A_25, %add3A_255 : i32
      %get3A_257 = arith.index_cast %add3A_256 : i32 to index
      %get3A_258 = tpu.vector_load %arg5[%get3A_257] {strides = array<i32>} : memref<16640xi32, #tpu.memory_space<vmem>>, vector<16xi32>,
      %get3A_259 = vector.shape_cast %get3A_258 : vector<16xi32> to vector<16xi32>
      %add3A_260 = vector.broadcast %mul3A_23 : i32 to vector<16xi32>
      %add3A_261 = arith.addi %get3A_259, %add3A_260 : vector<16xi32>
      %swap3A_262 = arith.index_cast %add3A_256 : i32 to index
      %swap3A_263 = tpu.vector_load %arg5[%swap3A_262] {strides = array<i32>} : memref<16640xi32, #tpu.memory_space<vmem>>, vector<16xi32>,
      %swap3A_264 = vector.shape_cast %swap3A_263 : vector<16xi32> to vector<16xi32>
      %swap3A_265 = vector.shape_cast %add3A_261 : vector<16xi32> to vector<16xi32>
      tpu.vector_store %arg5[%swap3A_262], %swap3A_265 {strides = array<i32>} : memref<16640xi32, #tpu.memory_space<vmem>>, vector<16xi32>,
      %add3A_266 = arith.constant 352 : i32
      %add3A_267 = arith.addi %mul3A_25, %add3A_266 : i32
      %get3A_268 = arith.index_cast %add3A_267 : i32 to index
      %get3A_269 = tpu.vector_load %arg5[%get3A_268] {strides = array<i32>} : memref<16640xi32, #tpu.memory_space<vmem>>, vector<16xi32>,
      %get3A_270 = vector.shape_cast %get3A_269 : vector<16xi32> to vector<16xi32>
      %add3A_271 = vector.broadcast %mul3A_23 : i32 to vector<16xi32>
      %add3A_272 = arith.addi %get3A_270, %add3A_271 : vector<16xi32>
      %swap3A_273 = arith.index_cast %add3A_267 : i32 to index
      %swap3A_274 = tpu.vector_load %arg5[%swap3A_273] {strides = array<i32>} : memref<16640xi32, #tpu.memory_space<vmem>>, vector<16xi32>,
      %swap3A_275 = vector.shape_cast %swap3A_274 : vector<16xi32> to vector<16xi32>
      %swap3A_276 = vector.shape_cast %add3A_272 : vector<16xi32> to vector<16xi32>
      tpu.vector_store %arg5[%swap3A_273], %swap3A_276 {strides = array<i32>} : memref<16640xi32, #tpu.memory_space<vmem>>, vector<16xi32>,
      %add3A_277 = arith.constant 368 : i32
      %add3A_278 = arith.addi %mul3A_25, %add3A_277 : i32
      %get3A_279 = arith.index_cast %add3A_278 : i32 to index
      %get3A_280 = tpu.vector_load %arg5[%get3A_279] {strides = array<i32>} : memref<16640xi32, #tpu.memory_space<vmem>>, vector<16xi32>,
      %get3A_281 = vector.shape_cast %get3A_280 : vector<16xi32> to vector<16xi32>
      %add3A_282 = vector.broadcast %mul3A_23 : i32 to vector<16xi32>
      %add3A_283 = arith.addi %get3A_281, %add3A_282 : vector<16xi32>
      %swap3A_284 = arith.index_cast %add3A_278 : i32 to index
      %swap3A_285 = tpu.vector_load %arg5[%swap3A_284] {strides = array<i32>} : memref<16640xi32, #tpu.memory_space<vmem>>, vector<16xi32>,
      %swap3A_286 = vector.shape_cast %swap3A_285 : vector<16xi32> to vector<16xi32>
      %swap3A_287 = vector.shape_cast %add3A_283 : vector<16xi32> to vector<16xi32>
      tpu.vector_store %arg5[%swap3A_284], %swap3A_287 {strides = array<i32>} : memref<16640xi32, #tpu.memory_space<vmem>>, vector<16xi32>,
      %add3A_288 = arith.constant 384 : i32
      %add3A_289 = arith.addi %mul3A_25, %add3A_288 : i32
      %get3A_290 = arith.index_cast %add3A_289 : i32 to index
      %get3A_291 = tpu.vector_load %arg5[%get3A_290] {strides = array<i32>} : memref<16640xi32, #tpu.memory_space<vmem>>, vector<16xi32>,
      %get3A_292 = vector.shape_cast %get3A_291 : vector<16xi32> to vector<16xi32>
      %add3A_293 = vector.broadcast %mul3A_23 : i32 to vector<16xi32>
      %add3A_294 = arith.addi %get3A_292, %add3A_293 : vector<16xi32>
      %swap3A_295 = arith.index_cast %add3A_289 : i32 to index
      %swap3A_296 = tpu.vector_load %arg5[%swap3A_295] {strides = array<i32>} : memref<16640xi32, #tpu.memory_space<vmem>>, vector<16xi32>,
      %swap3A_297 = vector.shape_cast %swap3A_296 : vector<16xi32> to vector<16xi32>
      %swap3A_298 = vector.shape_cast %add3A_294 : vector<16xi32> to vector<16xi32>
      tpu.vector_store %arg5[%swap3A_295], %swap3A_298 {strides = array<i32>} : memref<16640xi32, #tpu.memory_space<vmem>>, vector<16xi32>,
      %add3A_299 = arith.constant 400 : i32
      %add3A_300 = arith.addi %mul3A_25, %add3A_299 : i32
      %get3A_301 = arith.index_cast %add3A_300 : i32 to index
      %get3A_302 = tpu.vector_load %arg5[%get3A_301] {strides = array<i32>} : memref<16640xi32, #tpu.memory_space<vmem>>, vector<16xi32>,
      %get3A_303 = vector.shape_cast %get3A_302 : vector<16xi32> to vector<16xi32>
      %add3A_304 = vector.broadcast %mul3A_23 : i32 to vector<16xi32>
      %add3A_305 = arith.addi %get3A_303, %add3A_304 : vector<16xi32>
      %swap3A_306 = arith.index_cast %add3A_300 : i32 to index
      %swap3A_307 = tpu.vector_load %arg5[%swap3A_306] {strides = array<i32>} : memref<16640xi32, #tpu.memory_space<vmem>>, vector<16xi32>,
      %swap3A_308 = vector.shape_cast %swap3A_307 : vector<16xi32> to vector<16xi32>
      %swap3A_309 = vector.shape_cast %add3A_305 : vector<16xi32> to vector<16xi32>
      tpu.vector_store %arg5[%swap3A_306], %swap3A_309 {strides = array<i32>} : memref<16640xi32, #tpu.memory_space<vmem>>, vector<16xi32>,
      %add3A_310 = arith.constant 416 : i32
      %add3A_311 = arith.addi %mul3A_25, %add3A_310 : i32
      %get3A_312 = arith.index_cast %add3A_311 : i32 to index
      %get3A_313 = tpu.vector_load %arg5[%get3A_312] {strides = array<i32>} : memref<16640xi32, #tpu.memory_space<vmem>>, vector<16xi32>,
      %get3A_314 = vector.shape_cast %get3A_313 : vector<16xi32> to vector<16xi32>
      %add3A_315 = vector.broadcast %mul3A_23 : i32 to vector<16xi32>
      %add3A_316 = arith.addi %get3A_314, %add3A_315 : vector<16xi32>
      %swap3A_317 = arith.index_cast %add3A_311 : i32 to index
      %swap3A_318 = tpu.vector_load %arg5[%swap3A_317] {strides = array<i32>} : memref<16640xi32, #tpu.memory_space<vmem>>, vector<16xi32>,
      %swap3A_319 = vector.shape_cast %swap3A_318 : vector<16xi32> to vector<16xi32>
      %swap3A_320 = vector.shape_cast %add3A_316 : vector<16xi32> to vector<16xi32>
      tpu.vector_store %arg5[%swap3A_317], %swap3A_320 {strides = array<i32>} : memref<16640xi32, #tpu.memory_space<vmem>>, vector<16xi32>,
      %add3A_321 = arith.constant 432 : i32
      %add3A_322 = arith.addi %mul3A_25, %add3A_321 : i32
      %get3A_323 = arith.index_cast %add3A_322 : i32 to index
      %get3A_324 = tpu.vector_load %arg5[%get3A_323] {strides = array<i32>} : memref<16640xi32, #tpu.memory_space<vmem>>, vector<16xi32>,
      %get3A_325 = vector.shape_cast %get3A_324 : vector<16xi32> to vector<16xi32>
      %add3A_326 = vector.broadcast %mul3A_23 : i32 to vector<16xi32>
      %add3A_327 = arith.addi %get3A_325, %add3A_326 : vector<16xi32>
      %swap3A_328 = arith.index_cast %add3A_322 : i32 to index
      %swap3A_329 = tpu.vector_load %arg5[%swap3A_328] {strides = array<i32>} : memref<16640xi32, #tpu.memory_space<vmem>>, vector<16xi32>,
      %swap3A_330 = vector.shape_cast %swap3A_329 : vector<16xi32> to vector<16xi32>
      %swap3A_331 = vector.shape_cast %add3A_327 : vector<16xi32> to vector<16xi32>
      tpu.vector_store %arg5[%swap3A_328], %swap3A_331 {strides = array<i32>} : memref<16640xi32, #tpu.memory_space<vmem>>, vector<16xi32>,
      %add3A_332 = arith.constant 448 : i32
      %add3A_333 = arith.addi %mul3A_25, %add3A_332 : i32
      %get3A_334 = arith.index_cast %add3A_333 : i32 to index
      %get3A_335 = tpu.vector_load %arg5[%get3A_334] {strides = array<i32>} : memref<16640xi32, #tpu.memory_space<vmem>>, vector<16xi32>,
      %get3A_336 = vector.shape_cast %get3A_335 : vector<16xi32> to vector<16xi32>
      %add3A_337 = vector.broadcast %mul3A_23 : i32 to vector<16xi32>
      %add3A_338 = arith.addi %get3A_336, %add3A_337 : vector<16xi32>
      %swap3A_339 = arith.index_cast %add3A_333 : i32 to index
      %swap3A_340 = tpu.vector_load %arg5[%swap3A_339] {strides = array<i32>} : memref<16640xi32, #tpu.memory_space<vmem>>, vector<16xi32>,
      %swap3A_341 = vector.shape_cast %swap3A_340 : vector<16xi32> to vector<16xi32>
      %swap3A_342 = vector.shape_cast %add3A_338 : vector<16xi32> to vector<16xi32>
      tpu.vector_store %arg5[%swap3A_339], %swap3A_342 {strides = array<i32>} : memref<16640xi32, #tpu.memory_space<vmem>>, vector<16xi32>,
      %add3A_343 = arith.constant 464 : i32
      %add3A_344 = arith.addi %mul3A_25, %add3A_343 : i32
      %get3A_345 = arith.index_cast %add3A_344 : i32 to index
      %get3A_346 = tpu.vector_load %arg5[%get3A_345] {strides = array<i32>} : memref<16640xi32, #tpu.memory_space<vmem>>, vector<16xi32>,
      %get3A_347 = vector.shape_cast %get3A_346 : vector<16xi32> to vector<16xi32>
      %add3A_348 = vector.broadcast %mul3A_23 : i32 to vector<16xi32>
      %add3A_349 = arith.addi %get3A_347, %add3A_348 : vector<16xi32>
      %swap3A_350 = arith.index_cast %add3A_344 : i32 to index
      %swap3A_351 = tpu.vector_load %arg5[%swap3A_350] {strides = array<i32>} : memref<16640xi32, #tpu.memory_space<vmem>>, vector<16xi32>,
      %swap3A_352 = vector.shape_cast %swap3A_351 : vector<16xi32> to vector<16xi32>
      %swap3A_353 = vector.shape_cast %add3A_349 : vector<16xi32> to vector<16xi32>
      tpu.vector_store %arg5[%swap3A_350], %swap3A_353 {strides = array<i32>} : memref<16640xi32, #tpu.memory_space<vmem>>, vector<16xi32>,
      %add3A_354 = arith.constant 480 : i32
      %add3A_355 = arith.addi %mul3A_25, %add3A_354 : i32
      %get3A_356 = arith.index_cast %add3A_355 : i32 to index
      %get3A_357 = tpu.vector_load %arg5[%get3A_356] {strides = array<i32>} : memref<16640xi32, #tpu.memory_space<vmem>>, vector<16xi32>,
      %get3A_358 = vector.shape_cast %get3A_357 : vector<16xi32> to vector<16xi32>
      %add3A_359 = vector.broadcast %mul3A_23 : i32 to vector<16xi32>
      %add3A_360 = arith.addi %get3A_358, %add3A_359 : vector<16xi32>
      %swap3A_361 = arith.index_cast %add3A_355 : i32 to index
      %swap3A_362 = tpu.vector_load %arg5[%swap3A_361] {strides = array<i32>} : memref<16640xi32, #tpu.memory_space<vmem>>, vector<16xi32>,
      %swap3A_363 = vector.shape_cast %swap3A_362 : vector<16xi32> to vector<16xi32>
      %swap3A_364 = vector.shape_cast %add3A_360 : vector<16xi32> to vector<16xi32>
      tpu.vector_store %arg5[%swap3A_361], %swap3A_364 {strides = array<i32>} : memref<16640xi32, #tpu.memory_space<vmem>>, vector<16xi32>,
      %add3A_365 = arith.constant 496 : i32
      %add3A_366 = arith.addi %mul3A_25, %add3A_365 : i32
      %get3A_367 = arith.index_cast %add3A_366 : i32 to index
      %get3A_368 = tpu.vector_load %arg5[%get3A_367] {strides = array<i32>} : memref<16640xi32, #tpu.memory_space<vmem>>, vector<16xi32>,
      %get3A_369 = vector.shape_cast %get3A_368 : vector<16xi32> to vector<16xi32>
      %add3A_370 = vector.broadcast %mul3A_23 : i32 to vector<16xi32>
      %add3A_371 = arith.addi %get3A_369, %add3A_370 : vector<16xi32>
      %swap3A_372 = arith.index_cast %add3A_366 : i32 to index
      %swap3A_373 = tpu.vector_load %arg5[%swap3A_372] {strides = array<i32>} : memref<16640xi32, #tpu.memory_space<vmem>>, vector<16xi32>,
      %swap3A_374 = vector.shape_cast %swap3A_373 : vector<16xi32> to vector<16xi32>
      %swap3A_375 = vector.shape_cast %add3A_371 : vector<16xi32> to vector<16xi32>
      tpu.vector_store %arg5[%swap3A_372], %swap3A_375 {strides = array<i32>} : memref<16640xi32, #tpu.memory_space<vmem>>, vector<16xi32>,
      %add3A_376 = arith.constant 512 : i32
      %add3A_377 = arith.addi %mul3A_25, %add3A_376 : i32
      %get3A_378 = arith.index_cast %add3A_377 : i32 to index
      %get3A_379 = tpu.vector_load %arg5[%get3A_378] {strides = array<i32>} : memref<16640xi32, #tpu.memory_space<vmem>>, vector<16xi32>,
      %get3A_380 = vector.shape_cast %get3A_379 : vector<16xi32> to vector<16xi32>
      %add3A_381 = vector.broadcast %mul3A_23 : i32 to vector<16xi32>
      %add3A_382 = arith.addi %get3A_380, %add3A_381 : vector<16xi32>
      %swap3A_383 = arith.index_cast %add3A_377 : i32 to index
      %swap3A_384 = tpu.vector_load %arg5[%swap3A_383] {strides = array<i32>} : memref<16640xi32, #tpu.memory_space<vmem>>, vector<16xi32>,
      %swap3A_385 = vector.shape_cast %swap3A_384 : vector<16xi32> to vector<16xi32>
      %swap3A_386 = vector.shape_cast %add3A_382 : vector<16xi32> to vector<16xi32>
      tpu.vector_store %arg5[%swap3A_383], %swap3A_386 {strides = array<i32>} : memref<16640xi32, #tpu.memory_space<vmem>>, vector<16xi32>,
      %add3A_387 = arith.constant 528 : i32
      %add3A_388 = arith.addi %mul3A_25, %add3A_387 : i32
      %get3A_389 = arith.index_cast %add3A_388 : i32 to index
      %get3A_390 = tpu.vector_load %arg5[%get3A_389] {strides = array<i32>} : memref<16640xi32, #tpu.memory_space<vmem>>, vector<16xi32>,
      %get3A_391 = vector.shape_cast %get3A_390 : vector<16xi32> to vector<16xi32>
      %add3A_392 = vector.broadcast %mul3A_23 : i32 to vector<16xi32>
      %add3A_393 = arith.addi %get3A_391, %add3A_392 : vector<16xi32>
      %swap3A_394 = arith.index_cast %add3A_388 : i32 to index
      %swap3A_395 = tpu.vector_load %arg5[%swap3A_394] {strides = array<i32>} : memref<16640xi32, #tpu.memory_space<vmem>>, vector<16xi32>,
      %swap3A_396 = vector.shape_cast %swap3A_395 : vector<16xi32> to vector<16xi32>
      %swap3A_397 = vector.shape_cast %add3A_393 : vector<16xi32> to vector<16xi32>
      tpu.vector_store %arg5[%swap3A_394], %swap3A_397 {strides = array<i32>} : memref<16640xi32, #tpu.memory_space<vmem>>, vector<16xi32>,
      %add3A_398 = arith.constant 544 : i32
      %add3A_399 = arith.addi %mul3A_25, %add3A_398 : i32
      %get3A_400 = arith.index_cast %add3A_399 : i32 to index
      %get3A_401 = tpu.vector_load %arg5[%get3A_400] {strides = array<i32>} : memref<16640xi32, #tpu.memory_space<vmem>>, vector<16xi32>,
      %get3A_402 = vector.shape_cast %get3A_401 : vector<16xi32> to vector<16xi32>
      %add3A_403 = vector.broadcast %mul3A_23 : i32 to vector<16xi32>
      %add3A_404 = arith.addi %get3A_402, %add3A_403 : vector<16xi32>
      %swap3A_405 = arith.index_cast %add3A_399 : i32 to index
      %swap3A_406 = tpu.vector_load %arg5[%swap3A_405] {strides = array<i32>} : memref<16640xi32, #tpu.memory_space<vmem>>, vector<16xi32>,
      %swap3A_407 = vector.shape_cast %swap3A_406 : vector<16xi32> to vector<16xi32>
      %swap3A_408 = vector.shape_cast %add3A_404 : vector<16xi32> to vector<16xi32>
      tpu.vector_store %arg5[%swap3A_405], %swap3A_408 {strides = array<i32>} : memref<16640xi32, #tpu.memory_space<vmem>>, vector<16xi32>,
      %add3A_409 = arith.constant 560 : i32
      %add3A_410 = arith.addi %mul3A_25, %add3A_409 : i32
      %get3A_411 = arith.index_cast %add3A_410 : i32 to index
      %get3A_412 = tpu.vector_load %arg5[%get3A_411] {strides = array<i32>} : memref<16640xi32, #tpu.memory_space<vmem>>, vector<16xi32>,
      %get3A_413 = vector.shape_cast %get3A_412 : vector<16xi32> to vector<16xi32>
      %add3A_414 = vector.broadcast %mul3A_23 : i32 to vector<16xi32>
      %add3A_415 = arith.addi %get3A_413, %add3A_414 : vector<16xi32>
      %swap3A_416 = arith.index_cast %add3A_410 : i32 to index
      %swap3A_417 = tpu.vector_load %arg5[%swap3A_416] {strides = array<i32>} : memref<16640xi32, #tpu.memory_space<vmem>>, vector<16xi32>,
      %swap3A_418 = vector.shape_cast %swap3A_417 : vector<16xi32> to vector<16xi32>
      %swap3A_419 = vector.shape_cast %add3A_415 : vector<16xi32> to vector<16xi32>
      tpu.vector_store %arg5[%swap3A_416], %swap3A_419 {strides = array<i32>} : memref<16640xi32, #tpu.memory_space<vmem>>, vector<16xi32>,
      %add3A_420 = arith.constant 576 : i32
      %add3A_421 = arith.addi %mul3A_25, %add3A_420 : i32
      %get3A_422 = arith.index_cast %add3A_421 : i32 to index
      %get3A_423 = tpu.vector_load %arg5[%get3A_422] {strides = array<i32>} : memref<16640xi32, #tpu.memory_space<vmem>>, vector<16xi32>,
      %get3A_424 = vector.shape_cast %get3A_423 : vector<16xi32> to vector<16xi32>
      %add3A_425 = vector.broadcast %mul3A_23 : i32 to vector<16xi32>
      %add3A_426 = arith.addi %get3A_424, %add3A_425 : vector<16xi32>
      %swap3A_427 = arith.index_cast %add3A_421 : i32 to index
      %swap3A_428 = tpu.vector_load %arg5[%swap3A_427] {strides = array<i32>} : memref<16640xi32, #tpu.memory_space<vmem>>, vector<16xi32>,
      %swap3A_429 = vector.shape_cast %swap3A_428 : vector<16xi32> to vector<16xi32>
      %swap3A_430 = vector.shape_cast %add3A_426 : vector<16xi32> to vector<16xi32>
      tpu.vector_store %arg5[%swap3A_427], %swap3A_430 {strides = array<i32>} : memref<16640xi32, #tpu.memory_space<vmem>>, vector<16xi32>,
      %add3A_431 = arith.constant 592 : i32
      %add3A_432 = arith.addi %mul3A_25, %add3A_431 : i32
      %get3A_433 = arith.index_cast %add3A_432 : i32 to index
      %get3A_434 = tpu.vector_load %arg5[%get3A_433] {strides = array<i32>} : memref<16640xi32, #tpu.memory_space<vmem>>, vector<16xi32>,
      %get3A_435 = vector.shape_cast %get3A_434 : vector<16xi32> to vector<16xi32>
      %add3A_436 = vector.broadcast %mul3A_23 : i32 to vector<16xi32>
      %add3A_437 = arith.addi %get3A_435, %add3A_436 : vector<16xi32>
      %swap3A_438 = arith.index_cast %add3A_432 : i32 to index
      %swap3A_439 = tpu.vector_load %arg5[%swap3A_438] {strides = array<i32>} : memref<16640xi32, #tpu.memory_space<vmem>>, vector<16xi32>,
      %swap3A_440 = vector.shape_cast %swap3A_439 : vector<16xi32> to vector<16xi32>
      %swap3A_441 = vector.shape_cast %add3A_437 : vector<16xi32> to vector<16xi32>
      tpu.vector_store %arg5[%swap3A_438], %swap3A_441 {strides = array<i32>} : memref<16640xi32, #tpu.memory_space<vmem>>, vector<16xi32>,
      %add3A_442 = arith.constant 608 : i32
      %add3A_443 = arith.addi %mul3A_25, %add3A_442 : i32
      %get3A_444 = arith.index_cast %add3A_443 : i32 to index
      %get3A_445 = tpu.vector_load %arg5[%get3A_444] {strides = array<i32>} : memref<16640xi32, #tpu.memory_space<vmem>>, vector<16xi32>,
      %get3A_446 = vector.shape_cast %get3A_445 : vector<16xi32> to vector<16xi32>
      %add3A_447 = vector.broadcast %mul3A_23 : i32 to vector<16xi32>
      %add3A_448 = arith.addi %get3A_446, %add3A_447 : vector<16xi32>
      %swap3A_449 = arith.index_cast %add3A_443 : i32 to index
      %swap3A_450 = tpu.vector_load %arg5[%swap3A_449] {strides = array<i32>} : memref<16640xi32, #tpu.memory_space<vmem>>, vector<16xi32>,
      %swap3A_451 = vector.shape_cast %swap3A_450 : vector<16xi32> to vector<16xi32>
      %swap3A_452 = vector.shape_cast %add3A_448 : vector<16xi32> to vector<16xi32>
      tpu.vector_store %arg5[%swap3A_449], %swap3A_452 {strides = array<i32>} : memref<16640xi32, #tpu.memory_space<vmem>>, vector<16xi32>,
      %add3A_453 = arith.constant 624 : i32
      %add3A_454 = arith.addi %mul3A_25, %add3A_453 : i32
      %get3A_455 = arith.index_cast %add3A_454 : i32 to index
      %get3A_456 = tpu.vector_load %arg5[%get3A_455] {strides = array<i32>} : memref<16640xi32, #tpu.memory_space<vmem>>, vector<16xi32>,
      %get3A_457 = vector.shape_cast %get3A_456 : vector<16xi32> to vector<16xi32>
      %add3A_458 = vector.broadcast %mul3A_23 : i32 to vector<16xi32>
      %add3A_459 = arith.addi %get3A_457, %add3A_458 : vector<16xi32>
      %swap3A_460 = arith.index_cast %add3A_454 : i32 to index
      %swap3A_461 = tpu.vector_load %arg5[%swap3A_460] {strides = array<i32>} : memref<16640xi32, #tpu.memory_space<vmem>>, vector<16xi32>,
      %swap3A_462 = vector.shape_cast %swap3A_461 : vector<16xi32> to vector<16xi32>
      %swap3A_463 = vector.shape_cast %add3A_459 : vector<16xi32> to vector<16xi32>
      tpu.vector_store %arg5[%swap3A_460], %swap3A_463 {strides = array<i32>} : memref<16640xi32, #tpu.memory_space<vmem>>, vector<16xi32>,
    }
    %scan3A_7 = arith.constant 26 : i32
    %dma_start3A = arith.constant 0 : i32
    %dma_start3A_8 = arith.constant 0 : i32
    %dma_start3A_9 = tpu.memref_slice %arg6[%dma_start3A, %dma_start3A_8] : memref<640x64xf32, #tpu.memory_space<vmem>> -> memref<320x64xf32, #tpu.memory_space<vmem>>
    %dma_start3A_10 = arith.constant 0 : i32
    %dma_start3A_11 = tpu.memref_slice %arg5[%dma_start3A_10] : memref<16640xi32, #tpu.memory_space<vmem>> -> memref<320xi32, #tpu.memory_space<vmem>>
    %dma_start3A_12 = arith.constant 0 : i32
    %dma_start3A_13 = arith.constant 0 : i32
    %dma_start3A_14 = tpu.memref_slice %arg3[%dma_start3A_12, %dma_start3A_13] : memref<2600000x64xf32, #tpu.memory_space<hbm>> -> memref<2600000x64xf32, #tpu.memory_space<hbm>>
    tpu.enqueue_indirect_dma source(%dma_start3A_14 : memref<2600000x64xf32, #tpu.memory_space<hbm>>) target(%dma_start3A_9 : memref<320x64xf32, #tpu.memory_space<vmem>>) offsets(%dma_start3A_11 : memref<320xi32, #tpu.memory_space<vmem>>) semaphore(%arg8 : memref<!tpu.dma_semaphore, #tpu.memory_space<semaphore_mem>>)
    %scan3A_15 = arith.constant 0 : i32
    %scan3A_16 = arith.constant 0 : i32
    %scan3A_17 = arith.constant 52 : i32
    %scan3A_18 = arith.addi %scan3A_16, %scan3A_17 : i32
    %scan3A_19 = arith.constant 1 : i32
    scf.for %scan3A_21 = %scan3A_16 to %scan3A_18 step %scan3A_19  : i32 {
      %jit3A = arith.constant 2 : i32
      %eq3A = arith.constant 0 : i32
      %eq3A_22 = arith.cmpi eq, %jit3A, %eq3A : i32
      %jit3A_23 = arith.constant 1 : i32
      %select_n3A = arith.select %eq3A_22, %jit3A_23, %jit3A : i32
      %rem3A = arith.remsi %scan3A_21, %select_n3A : i32
      %ne3A = arith.constant 0 : i32
      %ne3A_24 = arith.cmpi ne, %rem3A, %ne3A : i32
      %lt3A = arith.constant 0 : i32
      %lt3A_25 = arith.cmpi slt, %rem3A, %lt3A : i32
      %lt3A_26 = arith.constant 0 : i32
      %lt3A_27 = arith.cmpi slt, %select_n3A, %lt3A_26 : i32
      %ne3A_28 = arith.xori %lt3A_25, %lt3A_27 : i1
      %and3A = arith.andi %ne3A_28, %ne3A_24 : i1
      %add3A_29 = arith.addi %rem3A, %select_n3A : i32
      %select_n3A_30 = arith.select %and3A, %add3A_29, %rem3A : i32
      %mul3A_31 = arith.constant 320 : i32
      %mul3A_32 = arith.muli %scan3A_21, %mul3A_31 : i32
      %mul3A_33 = arith.constant 320 : i32
      %mul3A_34 = arith.muli %select_n3A_30, %mul3A_33 : i32
      %dma_wait3A = arith.constant 0 : i32
      %dma_wait3A_35 = tpu.memref_slice %arg6[%mul3A_34, %dma_wait3A] : memref<640x64xf32, #tpu.memory_space<vmem>> -> memref<320x64xf32, #tpu.memory_space<vmem>>
      %dma_wait3A_36 = tpu.memref_slice %arg5[%mul3A_32] : memref<16640xi32, #tpu.memory_space<vmem>> -> memref<320xi32, #tpu.memory_space<vmem>>
      %dma_wait3A_37 = arith.constant 0 : i32
      %dma_wait3A_38 = arith.constant 0 : i32
      %dma_wait3A_39 = tpu.memref_slice %arg3[%dma_wait3A_37, %dma_wait3A_38] : memref<2600000x64xf32, #tpu.memory_space<hbm>> -> memref<2600000x64xf32, #tpu.memory_space<hbm>>
      tpu.wait_indirect_dma semaphore(%arg8 : memref<!tpu.dma_semaphore, #tpu.memory_space<semaphore_mem>>) src(%dma_wait3A_39 : memref<2600000x64xf32, #tpu.memory_space<hbm>>) dst(%dma_wait3A_35 : memref<320x64xf32, #tpu.memory_space<vmem>>)
      %add3A_40 = arith.constant 1 : i32
      %add3A_41 = arith.addi %scan3A_21, %add3A_40 : i32
      %lt3A_42 = arith.constant 52 : i32
      %lt3A_43 = arith.cmpi slt, %add3A_41, %lt3A_42 : i32
      %convert_element_type3A = arith.extui %lt3A_43 : i1 to i32
      %cond3A = arith.constant 0 : i32
      %cond3A_44 = arith.cmpi ne, %convert_element_type3A, %cond3A : i32
      scf.if %cond3A_44 {
        %add3A_93 = arith.constant 1 : i32
        %add3A_94 = arith.addi %scan3A_21, %add3A_93 : i32
        %sub3A_95 = arith.constant 1 : i32
        %sub3A_96 = arith.subi %sub3A_95, %select_n3A_30 : i32
        %mul3A_97 = arith.constant 320 : i32
        %mul3A_98 = arith.muli %add3A_94, %mul3A_97 : i32
        %mul3A_99 = arith.constant 320 : i32
        %mul3A_100 = arith.muli %sub3A_96, %mul3A_99 : i32
        %dma_start3A_101 = arith.constant 0 : i32
        %dma_start3A_102 = tpu.memref_slice %arg6[%mul3A_100, %dma_start3A_101] : memref<640x64xf32, #tpu.memory_space<vmem>> -> memref<320x64xf32, #tpu.memory_space<vmem>>
        %dma_start3A_103 = tpu.memref_slice %arg5[%mul3A_98] : memref<16640xi32, #tpu.memory_space<vmem>> -> memref<320xi32, #tpu.memory_space<vmem>>
        %dma_start3A_104 = arith.constant 0 : i32
        %dma_start3A_105 = arith.constant 0 : i32
        %dma_start3A_106 = tpu.memref_slice %arg3[%dma_start3A_104, %dma_start3A_105] : memref<2600000x64xf32, #tpu.memory_space<hbm>> -> memref<2600000x64xf32, #tpu.memory_space<hbm>>
        tpu.enqueue_indirect_dma source(%dma_start3A_106 : memref<2600000x64xf32, #tpu.memory_space<hbm>>) target(%dma_start3A_102 : memref<320x64xf32, #tpu.memory_space<vmem>>) offsets(%dma_start3A_103 : memref<320xi32, #tpu.memory_space<vmem>>) semaphore(%arg8 : memref<!tpu.dma_semaphore, #tpu.memory_space<semaphore_mem>>)
      } else {
      }
      %scan3A_45 = arith.constant 0 : i32
      %scan3A_46 = arith.constant 0 : i32
      %scan3A_47 = arith.constant 16 : i32
      %scan3A_48 = arith.addi %scan3A_46, %scan3A_47 : i32
      %scan3A_49 = arith.constant 1 : i32
      scf.for %scan3A_93 = %scan3A_46 to %scan3A_48 step %scan3A_49  : i32 {
        %mul3A_94 = arith.constant 320 : i32
        %mul3A_95 = arith.muli %select_n3A_30, %mul3A_94 : i32
        %mul3A_96 = arith.constant 20 : i32
        %mul3A_97 = arith.muli %scan3A_93, %mul3A_96 : i32
        %add3A_98 = arith.addi %mul3A_95, %mul3A_97 : i32
        %get3A = arith.index_cast %add3A_98 : i32 to index
        %get3A_99 = arith.constant 0 : index
        %get3A_100 = tpu.vector_load %arg6[%get3A, %get3A_99] {strides = array<i32>} : memref<640x64xf32, #tpu.memory_space<vmem>>, vector<1x16xf32>,
        %get3A_101 = vector.shape_cast %get3A_100 : vector<1x16xf32> to vector<16xf32>
        %add3A_102 = arith.constant 1 : i32
        %add3A_103 = arith.addi %add3A_98, %add3A_102 : i32
        %get3A_104 = arith.index_cast %add3A_103 : i32 to index
        %get3A_105 = arith.constant 0 : index
        %get3A_106 = tpu.vector_load %arg6[%get3A_104, %get3A_105] {strides = array<i32>} : memref<640x64xf32, #tpu.memory_space<vmem>>, vector<1x16xf32>,
        %get3A_107 = vector.shape_cast %get3A_106 : vector<1x16xf32> to vector<16xf32>
        %add3A_108 = arith.addf %get3A_101, %get3A_107 : vector<16xf32>
        %add3A_109 = arith.constant 2 : i32
        %add3A_110 = arith.addi %add3A_98, %add3A_109 : i32
        %get3A_111 = arith.index_cast %add3A_110 : i32 to index
        %get3A_112 = arith.constant 0 : index
        %get3A_113 = tpu.vector_load %arg6[%get3A_111, %get3A_112] {strides = array<i32>} : memref<640x64xf32, #tpu.memory_space<vmem>>, vector<1x16xf32>,
        %get3A_114 = vector.shape_cast %get3A_113 : vector<1x16xf32> to vector<16xf32>
        %add3A_115 = arith.addf %add3A_108, %get3A_114 : vector<16xf32>
        %add3A_116 = arith.constant 3 : i32
        %add3A_117 = arith.addi %add3A_98, %add3A_116 : i32
        %get3A_118 = arith.index_cast %add3A_117 : i32 to index
        %get3A_119 = arith.constant 0 : index
        %get3A_120 = tpu.vector_load %arg6[%get3A_118, %get3A_119] {strides = array<i32>} : memref<640x64xf32, #tpu.memory_space<vmem>>, vector<1x16xf32>,
        %get3A_121 = vector.shape_cast %get3A_120 : vector<1x16xf32> to vector<16xf32>
        %add3A_122 = arith.addf %add3A_115, %get3A_121 : vector<16xf32>
        %add3A_123 = arith.constant 4 : i32
        %add3A_124 = arith.addi %add3A_98, %add3A_123 : i32
        %get3A_125 = arith.index_cast %add3A_124 : i32 to index
        %get3A_126 = arith.constant 0 : index
        %get3A_127 = tpu.vector_load %arg6[%get3A_125, %get3A_126] {strides = array<i32>} : memref<640x64xf32, #tpu.memory_space<vmem>>, vector<1x16xf32>,
        %get3A_128 = vector.shape_cast %get3A_127 : vector<1x16xf32> to vector<16xf32>
        %add3A_129 = arith.addf %add3A_122, %get3A_128 : vector<16xf32>
        %add3A_130 = arith.constant 5 : i32
        %add3A_131 = arith.addi %add3A_98, %add3A_130 : i32
        %get3A_132 = arith.index_cast %add3A_131 : i32 to index
        %get3A_133 = arith.constant 0 : index
        %get3A_134 = tpu.vector_load %arg6[%get3A_132, %get3A_133] {strides = array<i32>} : memref<640x64xf32, #tpu.memory_space<vmem>>, vector<1x16xf32>,
        %get3A_135 = vector.shape_cast %get3A_134 : vector<1x16xf32> to vector<16xf32>
        %add3A_136 = arith.addf %add3A_129, %get3A_135 : vector<16xf32>
        %add3A_137 = arith.constant 6 : i32
        %add3A_138 = arith.addi %add3A_98, %add3A_137 : i32
        %get3A_139 = arith.index_cast %add3A_138 : i32 to index
        %get3A_140 = arith.constant 0 : index
        %get3A_141 = tpu.vector_load %arg6[%get3A_139, %get3A_140] {strides = array<i32>} : memref<640x64xf32, #tpu.memory_space<vmem>>, vector<1x16xf32>,
        %get3A_142 = vector.shape_cast %get3A_141 : vector<1x16xf32> to vector<16xf32>
        %add3A_143 = arith.addf %add3A_136, %get3A_142 : vector<16xf32>
        %add3A_144 = arith.constant 7 : i32
        %add3A_145 = arith.addi %add3A_98, %add3A_144 : i32
        %get3A_146 = arith.index_cast %add3A_145 : i32 to index
        %get3A_147 = arith.constant 0 : index
        %get3A_148 = tpu.vector_load %arg6[%get3A_146, %get3A_147] {strides = array<i32>} : memref<640x64xf32, #tpu.memory_space<vmem>>, vector<1x16xf32>,
        %get3A_149 = vector.shape_cast %get3A_148 : vector<1x16xf32> to vector<16xf32>
        %add3A_150 = arith.addf %add3A_143, %get3A_149 : vector<16xf32>
        %add3A_151 = arith.constant 8 : i32
        %add3A_152 = arith.addi %add3A_98, %add3A_151 : i32
        %get3A_153 = arith.index_cast %add3A_152 : i32 to index
        %get3A_154 = arith.constant 0 : index
        %get3A_155 = tpu.vector_load %arg6[%get3A_153, %get3A_154] {strides = array<i32>} : memref<640x64xf32, #tpu.memory_space<vmem>>, vector<1x16xf32>,
        %get3A_156 = vector.shape_cast %get3A_155 : vector<1x16xf32> to vector<16xf32>
        %add3A_157 = arith.addf %add3A_150, %get3A_156 : vector<16xf32>
        %add3A_158 = arith.constant 9 : i32
        %add3A_159 = arith.addi %add3A_98, %add3A_158 : i32
        %get3A_160 = arith.index_cast %add3A_159 : i32 to index
        %get3A_161 = arith.constant 0 : index
        %get3A_162 = tpu.vector_load %arg6[%get3A_160, %get3A_161] {strides = array<i32>} : memref<640x64xf32, #tpu.memory_space<vmem>>, vector<1x16xf32>,
        %get3A_163 = vector.shape_cast %get3A_162 : vector<1x16xf32> to vector<16xf32>
        %add3A_164 = arith.addf %add3A_157, %get3A_163 : vector<16xf32>
        %add3A_165 = arith.constant 10 : i32
        %add3A_166 = arith.addi %add3A_98, %add3A_165 : i32
        %get3A_167 = arith.index_cast %add3A_166 : i32 to index
        %get3A_168 = arith.constant 0 : index
        %get3A_169 = tpu.vector_load %arg6[%get3A_167, %get3A_168] {strides = array<i32>} : memref<640x64xf32, #tpu.memory_space<vmem>>, vector<1x16xf32>,
        %get3A_170 = vector.shape_cast %get3A_169 : vector<1x16xf32> to vector<16xf32>
        %add3A_171 = arith.addf %add3A_164, %get3A_170 : vector<16xf32>
        %add3A_172 = arith.constant 11 : i32
        %add3A_173 = arith.addi %add3A_98, %add3A_172 : i32
        %get3A_174 = arith.index_cast %add3A_173 : i32 to index
        %get3A_175 = arith.constant 0 : index
        %get3A_176 = tpu.vector_load %arg6[%get3A_174, %get3A_175] {strides = array<i32>} : memref<640x64xf32, #tpu.memory_space<vmem>>, vector<1x16xf32>,
        %get3A_177 = vector.shape_cast %get3A_176 : vector<1x16xf32> to vector<16xf32>
        %add3A_178 = arith.addf %add3A_171, %get3A_177 : vector<16xf32>
        %add3A_179 = arith.constant 12 : i32
        %add3A_180 = arith.addi %add3A_98, %add3A_179 : i32
        %get3A_181 = arith.index_cast %add3A_180 : i32 to index
        %get3A_182 = arith.constant 0 : index
        %get3A_183 = tpu.vector_load %arg6[%get3A_181, %get3A_182] {strides = array<i32>} : memref<640x64xf32, #tpu.memory_space<vmem>>, vector<1x16xf32>,
        %get3A_184 = vector.shape_cast %get3A_183 : vector<1x16xf32> to vector<16xf32>
        %add3A_185 = arith.addf %add3A_178, %get3A_184 : vector<16xf32>
        %add3A_186 = arith.constant 13 : i32
        %add3A_187 = arith.addi %add3A_98, %add3A_186 : i32
        %get3A_188 = arith.index_cast %add3A_187 : i32 to index
        %get3A_189 = arith.constant 0 : index
        %get3A_190 = tpu.vector_load %arg6[%get3A_188, %get3A_189] {strides = array<i32>} : memref<640x64xf32, #tpu.memory_space<vmem>>, vector<1x16xf32>,
        %get3A_191 = vector.shape_cast %get3A_190 : vector<1x16xf32> to vector<16xf32>
        %add3A_192 = arith.addf %add3A_185, %get3A_191 : vector<16xf32>
        %add3A_193 = arith.constant 14 : i32
        %add3A_194 = arith.addi %add3A_98, %add3A_193 : i32
        %get3A_195 = arith.index_cast %add3A_194 : i32 to index
        %get3A_196 = arith.constant 0 : index
        %get3A_197 = tpu.vector_load %arg6[%get3A_195, %get3A_196] {strides = array<i32>} : memref<640x64xf32, #tpu.memory_space<vmem>>, vector<1x16xf32>,
        %get3A_198 = vector.shape_cast %get3A_197 : vector<1x16xf32> to vector<16xf32>
        %add3A_199 = arith.addf %add3A_192, %get3A_198 : vector<16xf32>
        %add3A_200 = arith.constant 15 : i32
        %add3A_201 = arith.addi %add3A_98, %add3A_200 : i32
        %get3A_202 = arith.index_cast %add3A_201 : i32 to index
        %get3A_203 = arith.constant 0 : index
        %get3A_204 = tpu.vector_load %arg6[%get3A_202, %get3A_203] {strides = array<i32>} : memref<640x64xf32, #tpu.memory_space<vmem>>, vector<1x16xf32>,
        %get3A_205 = vector.shape_cast %get3A_204 : vector<1x16xf32> to vector<16xf32>
        %add3A_206 = arith.addf %add3A_199, %get3A_205 : vector<16xf32>
        %add3A_207 = arith.constant 16 : i32
        %add3A_208 = arith.addi %add3A_98, %add3A_207 : i32
        %get3A_209 = arith.index_cast %add3A_208 : i32 to index
        %get3A_210 = arith.constant 0 : index
        %get3A_211 = tpu.vector_load %arg6[%get3A_209, %get3A_210] {strides = array<i32>} : memref<640x64xf32, #tpu.memory_space<vmem>>, vector<1x16xf32>,
        %get3A_212 = vector.shape_cast %get3A_211 : vector<1x16xf32> to vector<16xf32>
        %add3A_213 = arith.addf %add3A_206, %get3A_212 : vector<16xf32>
        %add3A_214 = arith.constant 17 : i32
        %add3A_215 = arith.addi %add3A_98, %add3A_214 : i32
        %get3A_216 = arith.index_cast %add3A_215 : i32 to index
        %get3A_217 = arith.constant 0 : index
        %get3A_218 = tpu.vector_load %arg6[%get3A_216, %get3A_217] {strides = array<i32>} : memref<640x64xf32, #tpu.memory_space<vmem>>, vector<1x16xf32>,
        %get3A_219 = vector.shape_cast %get3A_218 : vector<1x16xf32> to vector<16xf32>
        %add3A_220 = arith.addf %add3A_213, %get3A_219 : vector<16xf32>
        %add3A_221 = arith.constant 18 : i32
        %add3A_222 = arith.addi %add3A_98, %add3A_221 : i32
        %get3A_223 = arith.index_cast %add3A_222 : i32 to index
        %get3A_224 = arith.constant 0 : index
        %get3A_225 = tpu.vector_load %arg6[%get3A_223, %get3A_224] {strides = array<i32>} : memref<640x64xf32, #tpu.memory_space<vmem>>, vector<1x16xf32>,
        %get3A_226 = vector.shape_cast %get3A_225 : vector<1x16xf32> to vector<16xf32>
        %add3A_227 = arith.addf %add3A_220, %get3A_226 : vector<16xf32>
        %add3A_228 = arith.constant 19 : i32
        %add3A_229 = arith.addi %add3A_98, %add3A_228 : i32
        %get3A_230 = arith.index_cast %add3A_229 : i32 to index
        %get3A_231 = arith.constant 0 : index
        %get3A_232 = tpu.vector_load %arg6[%get3A_230, %get3A_231] {strides = array<i32>} : memref<640x64xf32, #tpu.memory_space<vmem>>, vector<1x16xf32>,
        %get3A_233 = vector.shape_cast %get3A_232 : vector<1x16xf32> to vector<16xf32>
        %add3A_234 = arith.addf %add3A_227, %get3A_233 : vector<16xf32>
        %swap3A = arith.index_cast %scan3A_93 : i32 to index
        %swap3A_235 = arith.constant 0 : index
        %swap3A_236 = tpu.vector_load %arg7[%swap3A, %swap3A_235] {strides = array<i32>} : memref<16x64xf32, #tpu.memory_space<vmem>>, vector<1x16xf32>,
        %swap3A_237 = vector.shape_cast %swap3A_236 : vector<1x16xf32> to vector<16xf32>
        %swap3A_238 = vector.shape_cast %add3A_234 : vector<16xf32> to vector<1x16xf32>
        tpu.vector_store %arg7[%swap3A, %swap3A_235], %swap3A_238 {strides = array<i32>} : memref<16x64xf32, #tpu.memory_space<vmem>>, vector<1x16xf32>,
        %get3A_239 = arith.index_cast %add3A_98 : i32 to index
        %get3A_240 = arith.constant 16 : index
        %get3A_241 = tpu.vector_load %arg6[%get3A_239, %get3A_240] {strides = array<i32>} : memref<640x64xf32, #tpu.memory_space<vmem>>, vector<1x16xf32>,
        %get3A_242 = vector.shape_cast %get3A_241 : vector<1x16xf32> to vector<16xf32>
        %add3A_243 = arith.constant 1 : i32
        %add3A_244 = arith.addi %add3A_98, %add3A_243 : i32
        %get3A_245 = arith.index_cast %add3A_244 : i32 to index
        %get3A_246 = arith.constant 16 : index
        %get3A_247 = tpu.vector_load %arg6[%get3A_245, %get3A_246] {strides = array<i32>} : memref<640x64xf32, #tpu.memory_space<vmem>>, vector<1x16xf32>,
        %get3A_248 = vector.shape_cast %get3A_247 : vector<1x16xf32> to vector<16xf32>
        %add3A_249 = arith.addf %get3A_242, %get3A_248 : vector<16xf32>
        %add3A_250 = arith.constant 2 : i32
        %add3A_251 = arith.addi %add3A_98, %add3A_250 : i32
        %get3A_252 = arith.index_cast %add3A_251 : i32 to index
        %get3A_253 = arith.constant 16 : index
        %get3A_254 = tpu.vector_load %arg6[%get3A_252, %get3A_253] {strides = array<i32>} : memref<640x64xf32, #tpu.memory_space<vmem>>, vector<1x16xf32>,
        %get3A_255 = vector.shape_cast %get3A_254 : vector<1x16xf32> to vector<16xf32>
        %add3A_256 = arith.addf %add3A_249, %get3A_255 : vector<16xf32>
        %add3A_257 = arith.constant 3 : i32
        %add3A_258 = arith.addi %add3A_98, %add3A_257 : i32
        %get3A_259 = arith.index_cast %add3A_258 : i32 to index
        %get3A_260 = arith.constant 16 : index
        %get3A_261 = tpu.vector_load %arg6[%get3A_259, %get3A_260] {strides = array<i32>} : memref<640x64xf32, #tpu.memory_space<vmem>>, vector<1x16xf32>,
        %get3A_262 = vector.shape_cast %get3A_261 : vector<1x16xf32> to vector<16xf32>
        %add3A_263 = arith.addf %add3A_256, %get3A_262 : vector<16xf32>
        %add3A_264 = arith.constant 4 : i32
        %add3A_265 = arith.addi %add3A_98, %add3A_264 : i32
        %get3A_266 = arith.index_cast %add3A_265 : i32 to index
        %get3A_267 = arith.constant 16 : index
        %get3A_268 = tpu.vector_load %arg6[%get3A_266, %get3A_267] {strides = array<i32>} : memref<640x64xf32, #tpu.memory_space<vmem>>, vector<1x16xf32>,
        %get3A_269 = vector.shape_cast %get3A_268 : vector<1x16xf32> to vector<16xf32>
        %add3A_270 = arith.addf %add3A_263, %get3A_269 : vector<16xf32>
        %add3A_271 = arith.constant 5 : i32
        %add3A_272 = arith.addi %add3A_98, %add3A_271 : i32
        %get3A_273 = arith.index_cast %add3A_272 : i32 to index
        %get3A_274 = arith.constant 16 : index
        %get3A_275 = tpu.vector_load %arg6[%get3A_273, %get3A_274] {strides = array<i32>} : memref<640x64xf32, #tpu.memory_space<vmem>>, vector<1x16xf32>,
        %get3A_276 = vector.shape_cast %get3A_275 : vector<1x16xf32> to vector<16xf32>
        %add3A_277 = arith.addf %add3A_270, %get3A_276 : vector<16xf32>
        %add3A_278 = arith.constant 6 : i32
        %add3A_279 = arith.addi %add3A_98, %add3A_278 : i32
        %get3A_280 = arith.index_cast %add3A_279 : i32 to index
        %get3A_281 = arith.constant 16 : index
        %get3A_282 = tpu.vector_load %arg6[%get3A_280, %get3A_281] {strides = array<i32>} : memref<640x64xf32, #tpu.memory_space<vmem>>, vector<1x16xf32>,
        %get3A_283 = vector.shape_cast %get3A_282 : vector<1x16xf32> to vector<16xf32>
        %add3A_284 = arith.addf %add3A_277, %get3A_283 : vector<16xf32>
        %add3A_285 = arith.constant 7 : i32
        %add3A_286 = arith.addi %add3A_98, %add3A_285 : i32
        %get3A_287 = arith.index_cast %add3A_286 : i32 to index
        %get3A_288 = arith.constant 16 : index
        %get3A_289 = tpu.vector_load %arg6[%get3A_287, %get3A_288] {strides = array<i32>} : memref<640x64xf32, #tpu.memory_space<vmem>>, vector<1x16xf32>,
        %get3A_290 = vector.shape_cast %get3A_289 : vector<1x16xf32> to vector<16xf32>
        %add3A_291 = arith.addf %add3A_284, %get3A_290 : vector<16xf32>
        %add3A_292 = arith.constant 8 : i32
        %add3A_293 = arith.addi %add3A_98, %add3A_292 : i32
        %get3A_294 = arith.index_cast %add3A_293 : i32 to index
        %get3A_295 = arith.constant 16 : index
        %get3A_296 = tpu.vector_load %arg6[%get3A_294, %get3A_295] {strides = array<i32>} : memref<640x64xf32, #tpu.memory_space<vmem>>, vector<1x16xf32>,
        %get3A_297 = vector.shape_cast %get3A_296 : vector<1x16xf32> to vector<16xf32>
        %add3A_298 = arith.addf %add3A_291, %get3A_297 : vector<16xf32>
        %add3A_299 = arith.constant 9 : i32
        %add3A_300 = arith.addi %add3A_98, %add3A_299 : i32
        %get3A_301 = arith.index_cast %add3A_300 : i32 to index
        %get3A_302 = arith.constant 16 : index
        %get3A_303 = tpu.vector_load %arg6[%get3A_301, %get3A_302] {strides = array<i32>} : memref<640x64xf32, #tpu.memory_space<vmem>>, vector<1x16xf32>,
        %get3A_304 = vector.shape_cast %get3A_303 : vector<1x16xf32> to vector<16xf32>
        %add3A_305 = arith.addf %add3A_298, %get3A_304 : vector<16xf32>
        %add3A_306 = arith.constant 10 : i32
        %add3A_307 = arith.addi %add3A_98, %add3A_306 : i32
        %get3A_308 = arith.index_cast %add3A_307 : i32 to index
        %get3A_309 = arith.constant 16 : index
        %get3A_310 = tpu.vector_load %arg6[%get3A_308, %get3A_309] {strides = array<i32>} : memref<640x64xf32, #tpu.memory_space<vmem>>, vector<1x16xf32>,
        %get3A_311 = vector.shape_cast %get3A_310 : vector<1x16xf32> to vector<16xf32>
        %add3A_312 = arith.addf %add3A_305, %get3A_311 : vector<16xf32>
        %add3A_313 = arith.constant 11 : i32
        %add3A_314 = arith.addi %add3A_98, %add3A_313 : i32
        %get3A_315 = arith.index_cast %add3A_314 : i32 to index
        %get3A_316 = arith.constant 16 : index
        %get3A_317 = tpu.vector_load %arg6[%get3A_315, %get3A_316] {strides = array<i32>} : memref<640x64xf32, #tpu.memory_space<vmem>>, vector<1x16xf32>,
        %get3A_318 = vector.shape_cast %get3A_317 : vector<1x16xf32> to vector<16xf32>
        %add3A_319 = arith.addf %add3A_312, %get3A_318 : vector<16xf32>
        %add3A_320 = arith.constant 12 : i32
        %add3A_321 = arith.addi %add3A_98, %add3A_320 : i32
        %get3A_322 = arith.index_cast %add3A_321 : i32 to index
        %get3A_323 = arith.constant 16 : index
        %get3A_324 = tpu.vector_load %arg6[%get3A_322, %get3A_323] {strides = array<i32>} : memref<640x64xf32, #tpu.memory_space<vmem>>, vector<1x16xf32>,
        %get3A_325 = vector.shape_cast %get3A_324 : vector<1x16xf32> to vector<16xf32>
        %add3A_326 = arith.addf %add3A_319, %get3A_325 : vector<16xf32>
        %add3A_327 = arith.constant 13 : i32
        %add3A_328 = arith.addi %add3A_98, %add3A_327 : i32
        %get3A_329 = arith.index_cast %add3A_328 : i32 to index
        %get3A_330 = arith.constant 16 : index
        %get3A_331 = tpu.vector_load %arg6[%get3A_329, %get3A_330] {strides = array<i32>} : memref<640x64xf32, #tpu.memory_space<vmem>>, vector<1x16xf32>,
        %get3A_332 = vector.shape_cast %get3A_331 : vector<1x16xf32> to vector<16xf32>
        %add3A_333 = arith.addf %add3A_326, %get3A_332 : vector<16xf32>
        %add3A_334 = arith.constant 14 : i32
        %add3A_335 = arith.addi %add3A_98, %add3A_334 : i32
        %get3A_336 = arith.index_cast %add3A_335 : i32 to index
        %get3A_337 = arith.constant 16 : index
        %get3A_338 = tpu.vector_load %arg6[%get3A_336, %get3A_337] {strides = array<i32>} : memref<640x64xf32, #tpu.memory_space<vmem>>, vector<1x16xf32>,
        %get3A_339 = vector.shape_cast %get3A_338 : vector<1x16xf32> to vector<16xf32>
        %add3A_340 = arith.addf %add3A_333, %get3A_339 : vector<16xf32>
        %add3A_341 = arith.constant 15 : i32
        %add3A_342 = arith.addi %add3A_98, %add3A_341 : i32
        %get3A_343 = arith.index_cast %add3A_342 : i32 to index
        %get3A_344 = arith.constant 16 : index
        %get3A_345 = tpu.vector_load %arg6[%get3A_343, %get3A_344] {strides = array<i32>} : memref<640x64xf32, #tpu.memory_space<vmem>>, vector<1x16xf32>,
        %get3A_346 = vector.shape_cast %get3A_345 : vector<1x16xf32> to vector<16xf32>
        %add3A_347 = arith.addf %add3A_340, %get3A_346 : vector<16xf32>
        %add3A_348 = arith.constant 16 : i32
        %add3A_349 = arith.addi %add3A_98, %add3A_348 : i32
        %get3A_350 = arith.index_cast %add3A_349 : i32 to index
        %get3A_351 = arith.constant 16 : index
        %get3A_352 = tpu.vector_load %arg6[%get3A_350, %get3A_351] {strides = array<i32>} : memref<640x64xf32, #tpu.memory_space<vmem>>, vector<1x16xf32>,
        %get3A_353 = vector.shape_cast %get3A_352 : vector<1x16xf32> to vector<16xf32>
        %add3A_354 = arith.addf %add3A_347, %get3A_353 : vector<16xf32>
        %add3A_355 = arith.constant 17 : i32
        %add3A_356 = arith.addi %add3A_98, %add3A_355 : i32
        %get3A_357 = arith.index_cast %add3A_356 : i32 to index
        %get3A_358 = arith.constant 16 : index
        %get3A_359 = tpu.vector_load %arg6[%get3A_357, %get3A_358] {strides = array<i32>} : memref<640x64xf32, #tpu.memory_space<vmem>>, vector<1x16xf32>,
        %get3A_360 = vector.shape_cast %get3A_359 : vector<1x16xf32> to vector<16xf32>
        %add3A_361 = arith.addf %add3A_354, %get3A_360 : vector<16xf32>
        %add3A_362 = arith.constant 18 : i32
        %add3A_363 = arith.addi %add3A_98, %add3A_362 : i32
        %get3A_364 = arith.index_cast %add3A_363 : i32 to index
        %get3A_365 = arith.constant 16 : index
        %get3A_366 = tpu.vector_load %arg6[%get3A_364, %get3A_365] {strides = array<i32>} : memref<640x64xf32, #tpu.memory_space<vmem>>, vector<1x16xf32>,
        %get3A_367 = vector.shape_cast %get3A_366 : vector<1x16xf32> to vector<16xf32>
        %add3A_368 = arith.addf %add3A_361, %get3A_367 : vector<16xf32>
        %add3A_369 = arith.constant 19 : i32
        %add3A_370 = arith.addi %add3A_98, %add3A_369 : i32
        %get3A_371 = arith.index_cast %add3A_370 : i32 to index
        %get3A_372 = arith.constant 16 : index
        %get3A_373 = tpu.vector_load %arg6[%get3A_371, %get3A_372] {strides = array<i32>} : memref<640x64xf32, #tpu.memory_space<vmem>>, vector<1x16xf32>,
        %get3A_374 = vector.shape_cast %get3A_373 : vector<1x16xf32> to vector<16xf32>
        %add3A_375 = arith.addf %add3A_368, %get3A_374 : vector<16xf32>
        %swap3A_376 = arith.index_cast %scan3A_93 : i32 to index
        %swap3A_377 = arith.constant 16 : index
        %swap3A_378 = tpu.vector_load %arg7[%swap3A_376, %swap3A_377] {strides = array<i32>} : memref<16x64xf32, #tpu.memory_space<vmem>>, vector<1x16xf32>,
        %swap3A_379 = vector.shape_cast %swap3A_378 : vector<1x16xf32> to vector<16xf32>
        %swap3A_380 = vector.shape_cast %add3A_375 : vector<16xf32> to vector<1x16xf32>
        tpu.vector_store %arg7[%swap3A_376, %swap3A_377], %swap3A_380 {strides = array<i32>} : memref<16x64xf32, #tpu.memory_space<vmem>>, vector<1x16xf32>,
        %get3A_381 = arith.index_cast %add3A_98 : i32 to index
        %get3A_382 = arith.constant 32 : index
        %get3A_383 = tpu.vector_load %arg6[%get3A_381, %get3A_382] {strides = array<i32>} : memref<640x64xf32, #tpu.memory_space<vmem>>, vector<1x16xf32>,
        %get3A_384 = vector.shape_cast %get3A_383 : vector<1x16xf32> to vector<16xf32>
        %add3A_385 = arith.constant 1 : i32
        %add3A_386 = arith.addi %add3A_98, %add3A_385 : i32
        %get3A_387 = arith.index_cast %add3A_386 : i32 to index
        %get3A_388 = arith.constant 32 : index
        %get3A_389 = tpu.vector_load %arg6[%get3A_387, %get3A_388] {strides = array<i32>} : memref<640x64xf32, #tpu.memory_space<vmem>>, vector<1x16xf32>,
        %get3A_390 = vector.shape_cast %get3A_389 : vector<1x16xf32> to vector<16xf32>
        %add3A_391 = arith.addf %get3A_384, %get3A_390 : vector<16xf32>
        %add3A_392 = arith.constant 2 : i32
        %add3A_393 = arith.addi %add3A_98, %add3A_392 : i32
        %get3A_394 = arith.index_cast %add3A_393 : i32 to index
        %get3A_395 = arith.constant 32 : index
        %get3A_396 = tpu.vector_load %arg6[%get3A_394, %get3A_395] {strides = array<i32>} : memref<640x64xf32, #tpu.memory_space<vmem>>, vector<1x16xf32>,
        %get3A_397 = vector.shape_cast %get3A_396 : vector<1x16xf32> to vector<16xf32>
        %add3A_398 = arith.addf %add3A_391, %get3A_397 : vector<16xf32>
        %add3A_399 = arith.constant 3 : i32
        %add3A_400 = arith.addi %add3A_98, %add3A_399 : i32
        %get3A_401 = arith.index_cast %add3A_400 : i32 to index
        %get3A_402 = arith.constant 32 : index
        %get3A_403 = tpu.vector_load %arg6[%get3A_401, %get3A_402] {strides = array<i32>} : memref<640x64xf32, #tpu.memory_space<vmem>>, vector<1x16xf32>,
        %get3A_404 = vector.shape_cast %get3A_403 : vector<1x16xf32> to vector<16xf32>
        %add3A_405 = arith.addf %add3A_398, %get3A_404 : vector<16xf32>
        %add3A_406 = arith.constant 4 : i32
        %add3A_407 = arith.addi %add3A_98, %add3A_406 : i32
        %get3A_408 = arith.index_cast %add3A_407 : i32 to index
        %get3A_409 = arith.constant 32 : index
        %get3A_410 = tpu.vector_load %arg6[%get3A_408, %get3A_409] {strides = array<i32>} : memref<640x64xf32, #tpu.memory_space<vmem>>, vector<1x16xf32>,
        %get3A_411 = vector.shape_cast %get3A_410 : vector<1x16xf32> to vector<16xf32>
        %add3A_412 = arith.addf %add3A_405, %get3A_411 : vector<16xf32>
        %add3A_413 = arith.constant 5 : i32
        %add3A_414 = arith.addi %add3A_98, %add3A_413 : i32
        %get3A_415 = arith.index_cast %add3A_414 : i32 to index
        %get3A_416 = arith.constant 32 : index
        %get3A_417 = tpu.vector_load %arg6[%get3A_415, %get3A_416] {strides = array<i32>} : memref<640x64xf32, #tpu.memory_space<vmem>>, vector<1x16xf32>,
        %get3A_418 = vector.shape_cast %get3A_417 : vector<1x16xf32> to vector<16xf32>
        %add3A_419 = arith.addf %add3A_412, %get3A_418 : vector<16xf32>
        %add3A_420 = arith.constant 6 : i32
        %add3A_421 = arith.addi %add3A_98, %add3A_420 : i32
        %get3A_422 = arith.index_cast %add3A_421 : i32 to index
        %get3A_423 = arith.constant 32 : index
        %get3A_424 = tpu.vector_load %arg6[%get3A_422, %get3A_423] {strides = array<i32>} : memref<640x64xf32, #tpu.memory_space<vmem>>, vector<1x16xf32>,
        %get3A_425 = vector.shape_cast %get3A_424 : vector<1x16xf32> to vector<16xf32>
        %add3A_426 = arith.addf %add3A_419, %get3A_425 : vector<16xf32>
        %add3A_427 = arith.constant 7 : i32
        %add3A_428 = arith.addi %add3A_98, %add3A_427 : i32
        %get3A_429 = arith.index_cast %add3A_428 : i32 to index
        %get3A_430 = arith.constant 32 : index
        %get3A_431 = tpu.vector_load %arg6[%get3A_429, %get3A_430] {strides = array<i32>} : memref<640x64xf32, #tpu.memory_space<vmem>>, vector<1x16xf32>,
        %get3A_432 = vector.shape_cast %get3A_431 : vector<1x16xf32> to vector<16xf32>
        %add3A_433 = arith.addf %add3A_426, %get3A_432 : vector<16xf32>
        %add3A_434 = arith.constant 8 : i32
        %add3A_435 = arith.addi %add3A_98, %add3A_434 : i32
        %get3A_436 = arith.index_cast %add3A_435 : i32 to index
        %get3A_437 = arith.constant 32 : index
        %get3A_438 = tpu.vector_load %arg6[%get3A_436, %get3A_437] {strides = array<i32>} : memref<640x64xf32, #tpu.memory_space<vmem>>, vector<1x16xf32>,
        %get3A_439 = vector.shape_cast %get3A_438 : vector<1x16xf32> to vector<16xf32>
        %add3A_440 = arith.addf %add3A_433, %get3A_439 : vector<16xf32>
        %add3A_441 = arith.constant 9 : i32
        %add3A_442 = arith.addi %add3A_98, %add3A_441 : i32
        %get3A_443 = arith.index_cast %add3A_442 : i32 to index
        %get3A_444 = arith.constant 32 : index
        %get3A_445 = tpu.vector_load %arg6[%get3A_443, %get3A_444] {strides = array<i32>} : memref<640x64xf32, #tpu.memory_space<vmem>>, vector<1x16xf32>,
        %get3A_446 = vector.shape_cast %get3A_445 : vector<1x16xf32> to vector<16xf32>
        %add3A_447 = arith.addf %add3A_440, %get3A_446 : vector<16xf32>
        %add3A_448 = arith.constant 10 : i32
        %add3A_449 = arith.addi %add3A_98, %add3A_448 : i32
        %get3A_450 = arith.index_cast %add3A_449 : i32 to index
        %get3A_451 = arith.constant 32 : index
        %get3A_452 = tpu.vector_load %arg6[%get3A_450, %get3A_451] {strides = array<i32>} : memref<640x64xf32, #tpu.memory_space<vmem>>, vector<1x16xf32>,
        %get3A_453 = vector.shape_cast %get3A_452 : vector<1x16xf32> to vector<16xf32>
        %add3A_454 = arith.addf %add3A_447, %get3A_453 : vector<16xf32>
        %add3A_455 = arith.constant 11 : i32
        %add3A_456 = arith.addi %add3A_98, %add3A_455 : i32
        %get3A_457 = arith.index_cast %add3A_456 : i32 to index
        %get3A_458 = arith.constant 32 : index
        %get3A_459 = tpu.vector_load %arg6[%get3A_457, %get3A_458] {strides = array<i32>} : memref<640x64xf32, #tpu.memory_space<vmem>>, vector<1x16xf32>,
        %get3A_460 = vector.shape_cast %get3A_459 : vector<1x16xf32> to vector<16xf32>
        %add3A_461 = arith.addf %add3A_454, %get3A_460 : vector<16xf32>
        %add3A_462 = arith.constant 12 : i32
        %add3A_463 = arith.addi %add3A_98, %add3A_462 : i32
        %get3A_464 = arith.index_cast %add3A_463 : i32 to index
        %get3A_465 = arith.constant 32 : index
        %get3A_466 = tpu.vector_load %arg6[%get3A_464, %get3A_465] {strides = array<i32>} : memref<640x64xf32, #tpu.memory_space<vmem>>, vector<1x16xf32>,
        %get3A_467 = vector.shape_cast %get3A_466 : vector<1x16xf32> to vector<16xf32>
        %add3A_468 = arith.addf %add3A_461, %get3A_467 : vector<16xf32>
        %add3A_469 = arith.constant 13 : i32
        %add3A_470 = arith.addi %add3A_98, %add3A_469 : i32
        %get3A_471 = arith.index_cast %add3A_470 : i32 to index
        %get3A_472 = arith.constant 32 : index
        %get3A_473 = tpu.vector_load %arg6[%get3A_471, %get3A_472] {strides = array<i32>} : memref<640x64xf32, #tpu.memory_space<vmem>>, vector<1x16xf32>,
        %get3A_474 = vector.shape_cast %get3A_473 : vector<1x16xf32> to vector<16xf32>
        %add3A_475 = arith.addf %add3A_468, %get3A_474 : vector<16xf32>
        %add3A_476 = arith.constant 14 : i32
        %add3A_477 = arith.addi %add3A_98, %add3A_476 : i32
        %get3A_478 = arith.index_cast %add3A_477 : i32 to index
        %get3A_479 = arith.constant 32 : index
        %get3A_480 = tpu.vector_load %arg6[%get3A_478, %get3A_479] {strides = array<i32>} : memref<640x64xf32, #tpu.memory_space<vmem>>, vector<1x16xf32>,
        %get3A_481 = vector.shape_cast %get3A_480 : vector<1x16xf32> to vector<16xf32>
        %add3A_482 = arith.addf %add3A_475, %get3A_481 : vector<16xf32>
        %add3A_483 = arith.constant 15 : i32
        %add3A_484 = arith.addi %add3A_98, %add3A_483 : i32
        %get3A_485 = arith.index_cast %add3A_484 : i32 to index
        %get3A_486 = arith.constant 32 : index
        %get3A_487 = tpu.vector_load %arg6[%get3A_485, %get3A_486] {strides = array<i32>} : memref<640x64xf32, #tpu.memory_space<vmem>>, vector<1x16xf32>,
        %get3A_488 = vector.shape_cast %get3A_487 : vector<1x16xf32> to vector<16xf32>
        %add3A_489 = arith.addf %add3A_482, %get3A_488 : vector<16xf32>
        %add3A_490 = arith.constant 16 : i32
        %add3A_491 = arith.addi %add3A_98, %add3A_490 : i32
        %get3A_492 = arith.index_cast %add3A_491 : i32 to index
        %get3A_493 = arith.constant 32 : index
        %get3A_494 = tpu.vector_load %arg6[%get3A_492, %get3A_493] {strides = array<i32>} : memref<640x64xf32, #tpu.memory_space<vmem>>, vector<1x16xf32>,
        %get3A_495 = vector.shape_cast %get3A_494 : vector<1x16xf32> to vector<16xf32>
        %add3A_496 = arith.addf %add3A_489, %get3A_495 : vector<16xf32>
        %add3A_497 = arith.constant 17 : i32
        %add3A_498 = arith.addi %add3A_98, %add3A_497 : i32
        %get3A_499 = arith.index_cast %add3A_498 : i32 to index
        %get3A_500 = arith.constant 32 : index
        %get3A_501 = tpu.vector_load %arg6[%get3A_499, %get3A_500] {strides = array<i32>} : memref<640x64xf32, #tpu.memory_space<vmem>>, vector<1x16xf32>,
        %get3A_502 = vector.shape_cast %get3A_501 : vector<1x16xf32> to vector<16xf32>
        %add3A_503 = arith.addf %add3A_496, %get3A_502 : vector<16xf32>
        %add3A_504 = arith.constant 18 : i32
        %add3A_505 = arith.addi %add3A_98, %add3A_504 : i32
        %get3A_506 = arith.index_cast %add3A_505 : i32 to index
        %get3A_507 = arith.constant 32 : index
        %get3A_508 = tpu.vector_load %arg6[%get3A_506, %get3A_507] {strides = array<i32>} : memref<640x64xf32, #tpu.memory_space<vmem>>, vector<1x16xf32>,
        %get3A_509 = vector.shape_cast %get3A_508 : vector<1x16xf32> to vector<16xf32>
        %add3A_510 = arith.addf %add3A_503, %get3A_509 : vector<16xf32>
        %add3A_511 = arith.constant 19 : i32
        %add3A_512 = arith.addi %add3A_98, %add3A_511 : i32
        %get3A_513 = arith.index_cast %add3A_512 : i32 to index
        %get3A_514 = arith.constant 32 : index
        %get3A_515 = tpu.vector_load %arg6[%get3A_513, %get3A_514] {strides = array<i32>} : memref<640x64xf32, #tpu.memory_space<vmem>>, vector<1x16xf32>,
        %get3A_516 = vector.shape_cast %get3A_515 : vector<1x16xf32> to vector<16xf32>
        %add3A_517 = arith.addf %add3A_510, %get3A_516 : vector<16xf32>
        %swap3A_518 = arith.index_cast %scan3A_93 : i32 to index
        %swap3A_519 = arith.constant 32 : index
        %swap3A_520 = tpu.vector_load %arg7[%swap3A_518, %swap3A_519] {strides = array<i32>} : memref<16x64xf32, #tpu.memory_space<vmem>>, vector<1x16xf32>,
        %swap3A_521 = vector.shape_cast %swap3A_520 : vector<1x16xf32> to vector<16xf32>
        %swap3A_522 = vector.shape_cast %add3A_517 : vector<16xf32> to vector<1x16xf32>
        tpu.vector_store %arg7[%swap3A_518, %swap3A_519], %swap3A_522 {strides = array<i32>} : memref<16x64xf32, #tpu.memory_space<vmem>>, vector<1x16xf32>,
        %get3A_523 = arith.index_cast %add3A_98 : i32 to index
        %get3A_524 = arith.constant 48 : index
        %get3A_525 = tpu.vector_load %arg6[%get3A_523, %get3A_524] {strides = array<i32>} : memref<640x64xf32, #tpu.memory_space<vmem>>, vector<1x16xf32>,
        %get3A_526 = vector.shape_cast %get3A_525 : vector<1x16xf32> to vector<16xf32>
        %add3A_527 = arith.constant 1 : i32
        %add3A_528 = arith.addi %add3A_98, %add3A_527 : i32
        %get3A_529 = arith.index_cast %add3A_528 : i32 to index
        %get3A_530 = arith.constant 48 : index
        %get3A_531 = tpu.vector_load %arg6[%get3A_529, %get3A_530] {strides = array<i32>} : memref<640x64xf32, #tpu.memory_space<vmem>>, vector<1x16xf32>,
        %get3A_532 = vector.shape_cast %get3A_531 : vector<1x16xf32> to vector<16xf32>
        %add3A_533 = arith.addf %get3A_526, %get3A_532 : vector<16xf32>
        %add3A_534 = arith.constant 2 : i32
        %add3A_535 = arith.addi %add3A_98, %add3A_534 : i32
        %get3A_536 = arith.index_cast %add3A_535 : i32 to index
        %get3A_537 = arith.constant 48 : index
        %get3A_538 = tpu.vector_load %arg6[%get3A_536, %get3A_537] {strides = array<i32>} : memref<640x64xf32, #tpu.memory_space<vmem>>, vector<1x16xf32>,
        %get3A_539 = vector.shape_cast %get3A_538 : vector<1x16xf32> to vector<16xf32>
        %add3A_540 = arith.addf %add3A_533, %get3A_539 : vector<16xf32>
        %add3A_541 = arith.constant 3 : i32
        %add3A_542 = arith.addi %add3A_98, %add3A_541 : i32
        %get3A_543 = arith.index_cast %add3A_542 : i32 to index
        %get3A_544 = arith.constant 48 : index
        %get3A_545 = tpu.vector_load %arg6[%get3A_543, %get3A_544] {strides = array<i32>} : memref<640x64xf32, #tpu.memory_space<vmem>>, vector<1x16xf32>,
        %get3A_546 = vector.shape_cast %get3A_545 : vector<1x16xf32> to vector<16xf32>
        %add3A_547 = arith.addf %add3A_540, %get3A_546 : vector<16xf32>
        %add3A_548 = arith.constant 4 : i32
        %add3A_549 = arith.addi %add3A_98, %add3A_548 : i32
        %get3A_550 = arith.index_cast %add3A_549 : i32 to index
        %get3A_551 = arith.constant 48 : index
        %get3A_552 = tpu.vector_load %arg6[%get3A_550, %get3A_551] {strides = array<i32>} : memref<640x64xf32, #tpu.memory_space<vmem>>, vector<1x16xf32>,
        %get3A_553 = vector.shape_cast %get3A_552 : vector<1x16xf32> to vector<16xf32>
        %add3A_554 = arith.addf %add3A_547, %get3A_553 : vector<16xf32>
        %add3A_555 = arith.constant 5 : i32
        %add3A_556 = arith.addi %add3A_98, %add3A_555 : i32
        %get3A_557 = arith.index_cast %add3A_556 : i32 to index
        %get3A_558 = arith.constant 48 : index
        %get3A_559 = tpu.vector_load %arg6[%get3A_557, %get3A_558] {strides = array<i32>} : memref<640x64xf32, #tpu.memory_space<vmem>>, vector<1x16xf32>,
        %get3A_560 = vector.shape_cast %get3A_559 : vector<1x16xf32> to vector<16xf32>
        %add3A_561 = arith.addf %add3A_554, %get3A_560 : vector<16xf32>
        %add3A_562 = arith.constant 6 : i32
        %add3A_563 = arith.addi %add3A_98, %add3A_562 : i32
        %get3A_564 = arith.index_cast %add3A_563 : i32 to index
        %get3A_565 = arith.constant 48 : index
        %get3A_566 = tpu.vector_load %arg6[%get3A_564, %get3A_565] {strides = array<i32>} : memref<640x64xf32, #tpu.memory_space<vmem>>, vector<1x16xf32>,
        %get3A_567 = vector.shape_cast %get3A_566 : vector<1x16xf32> to vector<16xf32>
        %add3A_568 = arith.addf %add3A_561, %get3A_567 : vector<16xf32>
        %add3A_569 = arith.constant 7 : i32
        %add3A_570 = arith.addi %add3A_98, %add3A_569 : i32
        %get3A_571 = arith.index_cast %add3A_570 : i32 to index
        %get3A_572 = arith.constant 48 : index
        %get3A_573 = tpu.vector_load %arg6[%get3A_571, %get3A_572] {strides = array<i32>} : memref<640x64xf32, #tpu.memory_space<vmem>>, vector<1x16xf32>,
        %get3A_574 = vector.shape_cast %get3A_573 : vector<1x16xf32> to vector<16xf32>
        %add3A_575 = arith.addf %add3A_568, %get3A_574 : vector<16xf32>
        %add3A_576 = arith.constant 8 : i32
        %add3A_577 = arith.addi %add3A_98, %add3A_576 : i32
        %get3A_578 = arith.index_cast %add3A_577 : i32 to index
        %get3A_579 = arith.constant 48 : index
        %get3A_580 = tpu.vector_load %arg6[%get3A_578, %get3A_579] {strides = array<i32>} : memref<640x64xf32, #tpu.memory_space<vmem>>, vector<1x16xf32>,
        %get3A_581 = vector.shape_cast %get3A_580 : vector<1x16xf32> to vector<16xf32>
        %add3A_582 = arith.addf %add3A_575, %get3A_581 : vector<16xf32>
        %add3A_583 = arith.constant 9 : i32
        %add3A_584 = arith.addi %add3A_98, %add3A_583 : i32
        %get3A_585 = arith.index_cast %add3A_584 : i32 to index
        %get3A_586 = arith.constant 48 : index
        %get3A_587 = tpu.vector_load %arg6[%get3A_585, %get3A_586] {strides = array<i32>} : memref<640x64xf32, #tpu.memory_space<vmem>>, vector<1x16xf32>,
        %get3A_588 = vector.shape_cast %get3A_587 : vector<1x16xf32> to vector<16xf32>
        %add3A_589 = arith.addf %add3A_582, %get3A_588 : vector<16xf32>
        %add3A_590 = arith.constant 10 : i32
        %add3A_591 = arith.addi %add3A_98, %add3A_590 : i32
        %get3A_592 = arith.index_cast %add3A_591 : i32 to index
        %get3A_593 = arith.constant 48 : index
        %get3A_594 = tpu.vector_load %arg6[%get3A_592, %get3A_593] {strides = array<i32>} : memref<640x64xf32, #tpu.memory_space<vmem>>, vector<1x16xf32>,
        %get3A_595 = vector.shape_cast %get3A_594 : vector<1x16xf32> to vector<16xf32>
        %add3A_596 = arith.addf %add3A_589, %get3A_595 : vector<16xf32>
        %add3A_597 = arith.constant 11 : i32
        %add3A_598 = arith.addi %add3A_98, %add3A_597 : i32
        %get3A_599 = arith.index_cast %add3A_598 : i32 to index
        %get3A_600 = arith.constant 48 : index
        %get3A_601 = tpu.vector_load %arg6[%get3A_599, %get3A_600] {strides = array<i32>} : memref<640x64xf32, #tpu.memory_space<vmem>>, vector<1x16xf32>,
        %get3A_602 = vector.shape_cast %get3A_601 : vector<1x16xf32> to vector<16xf32>
        %add3A_603 = arith.addf %add3A_596, %get3A_602 : vector<16xf32>
        %add3A_604 = arith.constant 12 : i32
        %add3A_605 = arith.addi %add3A_98, %add3A_604 : i32
        %get3A_606 = arith.index_cast %add3A_605 : i32 to index
        %get3A_607 = arith.constant 48 : index
        %get3A_608 = tpu.vector_load %arg6[%get3A_606, %get3A_607] {strides = array<i32>} : memref<640x64xf32, #tpu.memory_space<vmem>>, vector<1x16xf32>,
        %get3A_609 = vector.shape_cast %get3A_608 : vector<1x16xf32> to vector<16xf32>
        %add3A_610 = arith.addf %add3A_603, %get3A_609 : vector<16xf32>
        %add3A_611 = arith.constant 13 : i32
        %add3A_612 = arith.addi %add3A_98, %add3A_611 : i32
        %get3A_613 = arith.index_cast %add3A_612 : i32 to index
        %get3A_614 = arith.constant 48 : index
        %get3A_615 = tpu.vector_load %arg6[%get3A_613, %get3A_614] {strides = array<i32>} : memref<640x64xf32, #tpu.memory_space<vmem>>, vector<1x16xf32>,
        %get3A_616 = vector.shape_cast %get3A_615 : vector<1x16xf32> to vector<16xf32>
        %add3A_617 = arith.addf %add3A_610, %get3A_616 : vector<16xf32>
        %add3A_618 = arith.constant 14 : i32
        %add3A_619 = arith.addi %add3A_98, %add3A_618 : i32
        %get3A_620 = arith.index_cast %add3A_619 : i32 to index
        %get3A_621 = arith.constant 48 : index
        %get3A_622 = tpu.vector_load %arg6[%get3A_620, %get3A_621] {strides = array<i32>} : memref<640x64xf32, #tpu.memory_space<vmem>>, vector<1x16xf32>,
        %get3A_623 = vector.shape_cast %get3A_622 : vector<1x16xf32> to vector<16xf32>
        %add3A_624 = arith.addf %add3A_617, %get3A_623 : vector<16xf32>
        %add3A_625 = arith.constant 15 : i32
        %add3A_626 = arith.addi %add3A_98, %add3A_625 : i32
        %get3A_627 = arith.index_cast %add3A_626 : i32 to index
        %get3A_628 = arith.constant 48 : index
        %get3A_629 = tpu.vector_load %arg6[%get3A_627, %get3A_628] {strides = array<i32>} : memref<640x64xf32, #tpu.memory_space<vmem>>, vector<1x16xf32>,
        %get3A_630 = vector.shape_cast %get3A_629 : vector<1x16xf32> to vector<16xf32>
        %add3A_631 = arith.addf %add3A_624, %get3A_630 : vector<16xf32>
        %add3A_632 = arith.constant 16 : i32
        %add3A_633 = arith.addi %add3A_98, %add3A_632 : i32
        %get3A_634 = arith.index_cast %add3A_633 : i32 to index
        %get3A_635 = arith.constant 48 : index
        %get3A_636 = tpu.vector_load %arg6[%get3A_634, %get3A_635] {strides = array<i32>} : memref<640x64xf32, #tpu.memory_space<vmem>>, vector<1x16xf32>,
        %get3A_637 = vector.shape_cast %get3A_636 : vector<1x16xf32> to vector<16xf32>
        %add3A_638 = arith.addf %add3A_631, %get3A_637 : vector<16xf32>
        %add3A_639 = arith.constant 17 : i32
        %add3A_640 = arith.addi %add3A_98, %add3A_639 : i32
        %get3A_641 = arith.index_cast %add3A_640 : i32 to index
        %get3A_642 = arith.constant 48 : index
        %get3A_643 = tpu.vector_load %arg6[%get3A_641, %get3A_642] {strides = array<i32>} : memref<640x64xf32, #tpu.memory_space<vmem>>, vector<1x16xf32>,
        %get3A_644 = vector.shape_cast %get3A_643 : vector<1x16xf32> to vector<16xf32>
        %add3A_645 = arith.addf %add3A_638, %get3A_644 : vector<16xf32>
        %add3A_646 = arith.constant 18 : i32
        %add3A_647 = arith.addi %add3A_98, %add3A_646 : i32
        %get3A_648 = arith.index_cast %add3A_647 : i32 to index
        %get3A_649 = arith.constant 48 : index
        %get3A_650 = tpu.vector_load %arg6[%get3A_648, %get3A_649] {strides = array<i32>} : memref<640x64xf32, #tpu.memory_space<vmem>>, vector<1x16xf32>,
        %get3A_651 = vector.shape_cast %get3A_650 : vector<1x16xf32> to vector<16xf32>
        %add3A_652 = arith.addf %add3A_645, %get3A_651 : vector<16xf32>
        %add3A_653 = arith.constant 19 : i32
        %add3A_654 = arith.addi %add3A_98, %add3A_653 : i32
        %get3A_655 = arith.index_cast %add3A_654 : i32 to index
        %get3A_656 = arith.constant 48 : index
        %get3A_657 = tpu.vector_load %arg6[%get3A_655, %get3A_656] {strides = array<i32>} : memref<640x64xf32, #tpu.memory_space<vmem>>, vector<1x16xf32>,
        %get3A_658 = vector.shape_cast %get3A_657 : vector<1x16xf32> to vector<16xf32>
        %add3A_659 = arith.addf %add3A_652, %get3A_658 : vector<16xf32>
        %swap3A_660 = arith.index_cast %scan3A_93 : i32 to index
        %swap3A_661 = arith.constant 48 : index
        %swap3A_662 = tpu.vector_load %arg7[%swap3A_660, %swap3A_661] {strides = array<i32>} : memref<16x64xf32, #tpu.memory_space<vmem>>, vector<1x16xf32>,
        %swap3A_663 = vector.shape_cast %swap3A_662 : vector<1x16xf32> to vector<16xf32>
        %swap3A_664 = vector.shape_cast %add3A_659 : vector<16xf32> to vector<1x16xf32>
        tpu.vector_store %arg7[%swap3A_660, %swap3A_661], %swap3A_664 {strides = array<i32>} : memref<16x64xf32, #tpu.memory_space<vmem>>, vector<1x16xf32>,
      }
      %scan3A_50 = arith.constant 16 : i32
      %jit3A_51 = arith.constant 2 : i32
      %div3A = arith.divsi %scan3A_21, %jit3A_51 : i32
      %sign3A = arith.constant 0 : i32
      %sign3A_52 = arith.cmpi sgt, %scan3A_21, %sign3A : i32
      %sign3A_53 = arith.extui %sign3A_52 : i1 to i32
      %sign3A_54 = arith.constant 0 : i32
      %sign3A_55 = arith.cmpi slt, %scan3A_21, %sign3A_54 : i32
      %sign3A_56 = arith.extui %sign3A_55 : i1 to i32
      %sign3A_57 = arith.subi %sign3A_53, %sign3A_56 : i32
      %sign3A_58 = arith.constant 0 : i32
      %sign3A_59 = arith.cmpi sgt, %jit3A_51, %sign3A_58 : i32
      %sign3A_60 = arith.extui %sign3A_59 : i1 to i32
      %sign3A_61 = arith.constant 0 : i32
      %sign3A_62 = arith.cmpi slt, %jit3A_51, %sign3A_61 : i32
      %sign3A_63 = arith.extui %sign3A_62 : i1 to i32
      %sign3A_64 = arith.subi %sign3A_60, %sign3A_63 : i32
      %ne3A_65 = arith.cmpi ne, %sign3A_57, %sign3A_64 : i32
      %rem3A_66 = arith.remsi %scan3A_21, %jit3A_51 : i32
      %ne3A_67 = arith.constant 0 : i32
      %ne3A_68 = arith.cmpi ne, %rem3A_66, %ne3A_67 : i32
      %and3A_69 = arith.andi %ne3A_65, %ne3A_68 : i1
      %sub3A = arith.constant 1 : i32
      %sub3A_70 = arith.subi %div3A, %sub3A : i32
      %select_n3A_71 = arith.select %and3A_69, %sub3A_70, %div3A : i32
      %mul3A_72 = arith.constant 32 : i32
      %mul3A_73 = arith.muli %add3A, %mul3A_72 : i32
      %jit3A_74 = arith.constant 2 : i32
      %eq3A_75 = arith.constant 0 : i32
      %eq3A_76 = arith.cmpi eq, %jit3A_74, %eq3A_75 : i32
      %jit3A_77 = arith.constant 1 : i32
      %select_n3A_78 = arith.select %eq3A_76, %jit3A_77, %jit3A_74 : i32
      %rem3A_79 = arith.remsi %scan3A_21, %select_n3A_78 : i32
      %ne3A_80 = arith.constant 0 : i32
      %ne3A_81 = arith.cmpi ne, %rem3A_79, %ne3A_80 : i32
      %lt3A_82 = arith.constant 0 : i32
      %lt3A_83 = arith.cmpi slt, %rem3A_79, %lt3A_82 : i32
      %lt3A_84 = arith.constant 0 : i32
      %lt3A_85 = arith.cmpi slt, %select_n3A_78, %lt3A_84 : i32
      %ne3A_86 = arith.xori %lt3A_83, %lt3A_85 : i1
      %and3A_87 = arith.andi %ne3A_86, %ne3A_81 : i1
      %add3A_88 = arith.addi %rem3A_79, %select_n3A_78 : i32
      %select_n3A_89 = arith.select %and3A_87, %add3A_88, %rem3A_79 : i32
      %mul3A_90 = arith.constant 16 : i32
      %mul3A_91 = arith.muli %select_n3A_89, %mul3A_90 : i32
      %add3A_92 = arith.addi %mul3A_73, %mul3A_91 : i32
      "tpu.region"() ({
        %run_scoped3A = tpu.sem_alloc : memref<!tpu.dma_semaphore, #tpu.memory_space<semaphore_mem>>
        %dma_start3A_93 = arith.constant 0 : i32
        %dma_start3A_94 = arith.constant 0 : i32
        %dma_start3A_95 = tpu.memref_slice %arg4[%select_n3A_71, %dma_start3A_93, %dma_start3A_94] : memref<26x1024x64xf32, #tpu.memory_space<hbm>> -> memref<1x1024x64xf32, #tpu.memory_space<hbm>>
        %dma_start3A_96 = tpu.memref_squeeze %dma_start3A_95 : memref<1x1024x64xf32, #tpu.memory_space<hbm>> -> memref<1024x64xf32, #tpu.memory_space<hbm>>
        %dma_start3A_97 = arith.constant 0 : i32
        %dma_start3A_98 = tpu.memref_slice %dma_start3A_96[%add3A_92, %dma_start3A_97] : memref<1024x64xf32, #tpu.memory_space<hbm>> -> memref<16x64xf32, #tpu.memory_space<hbm>>
        %dma_start3A_99 = arith.constant 0 : i32
        %dma_start3A_100 = arith.constant 0 : i32
        %dma_start3A_101 = tpu.memref_slice %arg4[%select_n3A_71, %dma_start3A_99, %dma_start3A_100] : memref<26x1024x64xf32, #tpu.memory_space<hbm>> -> memref<1x1024x64xf32, #tpu.memory_space<hbm>>
        %dma_start3A_102 = tpu.memref_squeeze %dma_start3A_101 : memref<1x1024x64xf32, #tpu.memory_space<hbm>> -> memref<1024x64xf32, #tpu.memory_space<hbm>>
        %dma_start3A_103 = arith.constant 0 : i32
        %dma_start3A_104 = tpu.memref_slice %dma_start3A_102[%add3A_92, %dma_start3A_103] : memref<1024x64xf32, #tpu.memory_space<hbm>> -> memref<16x64xf32, #tpu.memory_space<hbm>>
        tpu.enqueue_dma source(%arg7 : memref<16x64xf32, #tpu.memory_space<vmem>>) target(%dma_start3A_104 : memref<16x64xf32, #tpu.memory_space<hbm>>) target_semaphore(%run_scoped3A : memref<!tpu.dma_semaphore, #tpu.memory_space<semaphore_mem>>)
        %dma_wait3A_105 = arith.constant 0 : i32
        %dma_wait3A_106 = arith.constant 0 : i32
        %dma_wait3A_107 = tpu.memref_slice %arg4[%select_n3A_71, %dma_wait3A_105, %dma_wait3A_106] : memref<26x1024x64xf32, #tpu.memory_space<hbm>> -> memref<1x1024x64xf32, #tpu.memory_space<hbm>>
        %dma_wait3A_108 = tpu.memref_squeeze %dma_wait3A_107 : memref<1x1024x64xf32, #tpu.memory_space<hbm>> -> memref<1024x64xf32, #tpu.memory_space<hbm>>
        %dma_wait3A_109 = arith.constant 0 : i32
        %dma_wait3A_110 = tpu.memref_slice %dma_wait3A_108[%add3A_92, %dma_wait3A_109] : memref<1024x64xf32, #tpu.memory_space<hbm>> -> memref<16x64xf32, #tpu.memory_space<hbm>>
        %dma_wait3A_111 = arith.constant 0 : i32
        %dma_wait3A_112 = arith.constant 0 : i32
        %dma_wait3A_113 = tpu.memref_slice %arg4[%select_n3A_71, %dma_wait3A_111, %dma_wait3A_112] : memref<26x1024x64xf32, #tpu.memory_space<hbm>> -> memref<1x1024x64xf32, #tpu.memory_space<hbm>>
        %dma_wait3A_114 = tpu.memref_squeeze %dma_wait3A_113 : memref<1x1024x64xf32, #tpu.memory_space<hbm>> -> memref<1024x64xf32, #tpu.memory_space<hbm>>
        %dma_wait3A_115 = arith.constant 0 : i32
        %dma_wait3A_116 = tpu.memref_slice %dma_wait3A_114[%add3A_92, %dma_wait3A_115] : memref<1024x64xf32, #tpu.memory_space<hbm>> -> memref<16x64xf32, #tpu.memory_space<hbm>>
        tpu.wait_dma2 semaphore(%run_scoped3A : memref<!tpu.dma_semaphore, #tpu.memory_space<semaphore_mem>>) src(%arg7 : memref<16x64xf32, #tpu.memory_space<vmem>>) dst(%dma_wait3A_116 : memref<16x64xf32, #tpu.memory_space<hbm>>)
        tpu.yield
      }) : () -> ()
    }
    %scan3A_20 = arith.constant 52 : i32
    return
  }
}

</mosaic_0001>

<sc_bundles>
// kernel: _run.3.cloned.1.call-start
scs
__scs_entry_jumppad:
0x0: {  	(pc) =	sbr.rel $0x88, $3  }
0x1: {  	(tag) =	ssettag $0x0;
	lr =	simm.s32 $0x1  }
0x2: {  	[smem:$0x3F9F] =	sst lr;
	_ =	strace $0xD0000000  }
0x3: {  	_ = 	snop  }
0x4: {  	_ = 	snop  }
0x5: {  	_ = 	snop  }
0x6: {  	_ = 	snop  }
0x7: {  	_ = 	snop  }
__scs_overlays_trampoline_lowered:
0x8: {  	[smem:$0x3FAE] =	sst s0  }
0x9: {  	[smem:$0x3FAF] =	sst s1  }
0xa: {  	[smem:$0x3FB0] =	sst s2  }
0xb: {  	[smem:$0x3FB1] =	sst s3  }
0xc: {  	[smem:$0x3FB2] =	sst s4  }
0xd: {  	[smem:$0x3FB3] =	sst s5  }
0xe: {  	[smem:$0x3FB4] =	sst s6  }
0xf: {  	[smem:$0x3FB5] =	sst s7  }
0x10: {  	[smem:$0x3FB6] =	sst s8  }
0x11: {  	[smem:$0x3FB7] =	sst s9;
	s0 =	simm.s32 @!p0 $0x0  }
0x12: {  	s1 =	sld [smem:$0x3F9D];
	s0 =	simm.s32 @p0 $0x1  }
0x13: {  	[smem:$0x3FB8] =	sst s0;
	s0 =	simm.s32 @!p1 $0x0  }
0x14: {  	s2 =	sld [smem:$0x3F9C];
	s0 =	simm.s32 @p1 $0x1  }
0x15: {  	[smem:$0x3FB9] =	sst s0;
	s0 =	simm.s32 @!p2 $0x0  }
0x16: {  	s3 =	sld [smem:$0x3FDB];
	s0 =	simm.s32 @p2 $0x1  }
0x17: {  	s4 =	simm.s32 $0x1BF5;
	[smem:$0x3FBB] =	sst s0  }
0x18: {  	s0 =	sld [smem:$0x3F9E];
	_ =	swait.ge [sflag:s4], $0x0  }
0x19: {  	s7 =	sld [smem:$0x3F9F]  }
0x1a: {  	s8 =	sadd.s32 $0xFFFFE003, lr  }
0x1b: {  	s9 =	sadd.s32 $0xFFFFFEF7, lr;
	s5 =	simm.s32 $0xFFFFFFFF;
	p2 =	slt.u32 s8, $0xFFFFF086  }
0x1c: {  	p1 =	slt.u32 s9, $0xF7A;
	s5 =	simm.s32 @!p2 $0x0  }
0x1d: {  	s5 =	simm.s32 @p1 $0x1;
	p0 =	seq.s32 s7, s2  }
0x1e: {  	s7 =	smul.u32 @!p0 $0xF7A, s2;
	p2 =	seq.s32 @!p0 s5, $0x0  }
0x1f: {  	s9 =	smul.u32 $0xF7A, s1;
	s8 =	simm.s32 @!p0 $0x1BF5;
	p2 =	por !p2, p0  }
0x20: {  	[sflag:s8] =	ssyncset.s32 @!p0 $0xFFFFF086;
	s6 =	sadd.s32 @!p0 s3, s7;
	s7 =	simm.s32 @!p0 $0x108  }
0x21: {  	s3 =	sadd.s32 s3, s9;
	s6 =	sadd.s32 @!p0 $0x88, s6;
	s7 =	simm.s32 @p2 $0x1082  }
0x22: {  	[simem:s7], [sflag:s8] =	dma.local @!p0 [hbm:s6], $0xF7A  }
0x23: {  	s9 =	sor.u32 $0xD0000000, s2;
	s6 =	simm.s32 $0x108;
	_ =	swait.ge @!p0 [sflag:s8], $0x0  }
0x24: {  	s3 =	sadd.s32 $0x88, s3;
	s6 =	simm.s32 @!p1 $0x1082;
	[sflag:s4] =	ssyncset.s32 $0xFFFFF086  }
0x25: {  	[simem:s6], [sflag:s4] =	dma.local [hbm:s3], $0xF7A  }
0x26: {  	[smem:$0x3F9F] =	sst s1;
	(tag) =	ssettag s2;
	_ =	strace s9  }
0x27: {  	s1 =	sld [smem:$0x3FAF]  }
0x28: {  	s2 =	sld [smem:$0x3FB0]  }
0x29: {  	s4 =	sld [smem:$0x3FB2]  }
0x2a: {  	p0 =	seq.s32 s5, $0x0;
	s5 =	sld [smem:$0x3FB3]  }
0x2b: {  	s6 =	sld [smem:$0x3FB4]  }
0x2c: {  	s7 =	sld [smem:$0x3FB5]  }
0x2d: {  	s3 =	simm.s32 $0x108;
	s8 =	sld [smem:$0x3FB6]  }
0x2e: {  	s3 =	simm.s32 @!p0 $0x1082;
	s9 =	sld [smem:$0x3FB7]  }
0x2f: {  	lr =	sadd.s32 s0, s3;
	s0 =	sld [smem:$0x3FAE]  }
0x30: {  	s3 =	sld [smem:$0x3FB1]  }
0x31: {  	[smem:$0x3FBA] =	sst s10  }
0x32: {  	s10 =	sld [smem:$0x3FB8];
	_ =	sdelay $0x3  }
0x33: {  	p0 =	seq.s32 s10, $0x1;
	s10 =	sld [smem:$0x3FBA];
	_ =	sdelay $0x3  }
0x34: {  	[smem:$0x3FBA] =	sst s10  }
0x35: {  	s10 =	sld [smem:$0x3FB9];
	_ =	sdelay $0x3  }
0x36: {  	p1 =	seq.s32 s10, $0x1;
	s10 =	sld [smem:$0x3FBA];
	_ =	sdelay $0x3  }
0x37: {  	[smem:$0x3FBA] =	sst s10  }
0x38: {  	s10 =	sld [smem:$0x3FBB]  }
0x39: {  	_ = 	snop;
	(pc) =	sbr.ind lr, $3  }
0x3a: {  	_ = 	snop  }
0x3b: {  	_ = 	snop  }
0x3c: {  	p2 =	seq.s32 s10, $0x1;
	s10 =	sld [smem:$0x3FBA]  }
0x3d: {  	_ =	shalt  }
0x3e: {  	_ =	shalt  }
0x3f: {  	_ =	shalt  }
0x40: {  	_ =	shalt  }
0x41: {  	_ =	shalt  }
0x42: {  	_ =	shalt  }
0x43: {  	_ =	shalt  }
0x44: {  	_ =	shalt  }
0x45: {  	_ =	shalt  }
0x46: {  	_ =	shalt  }
0x47: {  	_ =	shalt  }
0x48: {  	_ =	shalt  }
0x49: {  	_ =	shalt  }
0x4a: {  	_ =	shalt  }
0x4b: {  	_ =	shalt  }
0x4c: {  	_ =	shalt  }
0x4d: {  	_ =	shalt  }
0x4e: {  	_ =	shalt  }
0x4f: {  	_ =	shalt  }
0x50: {  	_ =	shalt  }
0x51: {  	_ =	shalt  }
0x52: {  	_ =	shalt  }
0x53: {  	_ =	shalt  }
0x54: {  	_ =	shalt  }
0x55: {  	_ =	shalt  }
0x56: {  	_ =	shalt  }
0x57: {  	_ =	shalt  }
0x58: {  	_ =	shalt  }
0x59: {  	_ =	shalt  }
0x5a: {  	_ =	shalt  }
0x5b: {  	_ =	shalt  }
0x5c: {  	_ =	shalt  }
0x5d: {  	_ =	shalt  }
0x5e: {  	_ =	shalt  }
0x5f: {  	_ =	shalt  }
0x60: {  	_ =	shalt  }
0x61: {  	_ =	shalt  }
0x62: {  	_ =	shalt  }
0x63: {  	_ =	shalt  }
0x64: {  	_ =	shalt  }
0x65: {  	_ =	shalt  }
0x66: {  	_ =	shalt  }
0x67: {  	_ =	shalt  }
0x68: {  	_ =	shalt  }
0x69: {  	_ =	shalt  }
0x6a: {  	_ =	shalt  }
0x6b: {  	_ =	shalt  }
0x6c: {  	_ =	shalt  }
0x6d: {  	_ =	shalt  }
0x6e: {  	_ =	shalt  }
0x6f: {  	_ =	shalt  }
0x70: {  	_ =	shalt  }
0x71: {  	_ =	shalt  }
0x72: {  	_ =	shalt  }
0x73: {  	_ =	shalt  }
0x74: {  	_ =	shalt  }
0x75: {  	_ =	shalt  }
0x76: {  	_ =	shalt  }
0x77: {  	_ =	shalt  }
0x78: {  	_ =	shalt  }
0x79: {  	_ =	shalt  }
0x7a: {  	_ =	shalt  }
0x7b: {  	_ =	shalt  }
0x7c: {  	_ =	shalt  }
0x7d: {  	_ =	shalt  }
0x7e: {  	_ =	shalt  }
0x7f: {  	_ =	shalt  }
0x80: {  	_ =	shalt  }
0x81: {  	_ =	shalt  }
0x82: {  	_ =	shalt  }
0x83: {  	_ =	shalt  }
0x84: {  	_ =	shalt  }
0x85: {  	_ =	shalt  }
0x86: {  	_ =	shalt  }
0x87: {  	_ =	shalt  }
.Lfunc_end0:
.L_simem_size_0:
called_computation_lowered:
.L_overlay_start_0:
0x88: {  	s2 =	sld [smem:$0x3FD9]  }
0x89: {  	s3 =	sld [smem:$0x3FFE];
	_ =	sdelay $0x1  }
0x8a: {  	s1 =	srdreg.scid  }
0x8b: {  	s0 =	sand.u32 $0x1, s1  }
0x8c: {  	s17 =	sshll.u32 s0, $0xA;
	s2 =	sadd.s32 s3, s2  }
0x8d: {  	s2 =	sadd.s32 s2, s17  }
0x8e: {  	[smem:$0x3FC6] =	sst s2  }
0x8f: {  	_ = 	snop  }
0x90: {  	s2 =	sld [smem:$0x3FC9]  }
0x91: {  	s18 =	sld [smem:$0x3FD0];
	(tm) =	ssettm $0x1  }
0x92: {  	s4 =	sld [smem:$0x3FFB];
	_ =	sdelay $0x3  }
0x93: {  	_ =	strace s4  }
0x94: {  	s4 =	sld [smem:$0x3FFC];
	_ =	sdelay $0x3  }
0x95: {  	_ =	strace s4  }
0x96: {  	s4 =	sld [smem:$0x3FFD];
	_ =	sdelay $0x3  }
0x97: {  	_ =	strace s4  }
0x98: {  	_ =	strace $0x8FFFFFFF  }
0x99: {  	s19 =	sld [smem:$0x3FDB];
	_ =	sdelay $0x1  }
0x9a: {  	s5 =	simm.s32 $_scs_section_size  }
0x9b: {  	s6 =	simm.s32 $_size__tile_overlayer_lowered;
	s7 =	simm.s32 $_tile_overlayer_lowered  }
0x9c: {  	s22 =	simm.s32 $0x1BFF;
	s21 =	sshll.u32 s7, $0x1;
	s4 =	sadd.s32 s5, s19  }
0x9d: {  	s8 =	simm.s32 $0x0;
	s20 =	sshll.u32 s6, $0x1;
	s6 =	sadd.s32 s21, s4  }
0x9e: {  	[timem:s8], [sflag:s22] =	dma.local [hbm:s6], s20  }
0x9f: {  	_ =	swait.ge [sflag:s22], s20  }
0xa0: {  	s5 =	ssub.s32 $0x0, s20;
	[sflag:s22] =	ssyncset.done $0x0  }
0xa1: {  	[sflag:s22] =	ssyncadd.s32 s5;
	_ =	sdelay $0x1  }
0xa2: {  	s23 =	simm.s32 $0x1B8B  }
0xa3: {  	_ =	swait.ge [sflag:s23], $0x1  }
0xa4: {  	[sflag:s23] =	ssyncset.done $0x0  }
0xa5: {  	s25 =	simm.s32 $0x1B8E;
	s24 =	sld [smem:$0x3FFE];
	[sflag:s23] =	ssyncadd.s32 $0xFFFFFFFF  }
0xa6: {  	s26 =	simm.s32 $execute0_lowered;
	[smem:$0x3FD2] =	sst s25  }
0xa7: {  	s6 =	sshll.u32 s26, $0x1;
	_ =	strace $0x80000046;
	[dreg:$0x1] =	wrdreg $0xFFFFFFFF  }
0xa8: {  	s28 =	simm.s32 $_size_execute0_lowered;
	s4 =	sadd.s32 s4, s6;
	[dreg:$0x0] =	wrdreg $0x0  }
0xa9: {  	s6 =	sshll.u32 s28, $0x1;
	[dreg:$0x2] =	wrdreg s4  }
0xaa: {  	[dreg:$0x3] =	wrdreg s6  }
0xab: {  	[dreg:$0x4] =	wrdreg $0xC0  }
0xac: {  	_ =	task [dreg:s8], $0x5FFFF  }
0xad: {  	[dreg:$0x1] =	wrdreg $0xFFFFFFFF  }
0xae: {  	[dreg:$0x0] =	wrdreg $0x60  }
0xaf: {  	[dreg:$0x2] =	wrdreg s2  }
0xb0: {  	[dreg:$0x3] =	wrdreg s24  }
0xb1: {  	[dreg:$0x4] =	wrdreg s18  }
0xb2: {  	[dreg:$0x5] =	wrdreg $0x9  }
0xb3: {  	_ =	task.clear_ibuf [dreg:s8], $0x6FFFF;
	_ =	strace $0x90000046  }
0xb4: {  	s29 =	simm.s32 $0x9;
	_ =	strace $0x80000048  }
0xb5: {  	_ =	swait.ge [sflag:s29], $0x1  }
0xb6: {  	[sflag:s29] =	ssyncadd.s32 $0xFFFFFFFF  }
0xb7: {  	_ =	strace $0x90000048  }
0xb8: {  	_ =	sfence  }
0xb9: {  	s30 =	sld [smem:$0x0];
	_ =	sdelay $0x2  }
0xba: {  	s31 =	sshll.u32 s1, $0xD;
	s1 =	sshrl.u32 s1, $0x2  }
0xbb: {  	s3 =	sand.u32 $0x4000, s31;
	s1 =	sadd.s32 s1, s30  }
0xbc: {  	s0 =	sor.u32 s3, s0;
	s1 =	sshll.u32 s1, $0x11  }
0xbd: {  	s0 =	sor.u32 s1, s0  }
0xbe: {  	s0 =	sadd.s32 $0x8F2B, s0  }
0xbf: {  	[sflag:s0] =	ssyncadd.remote.s32 $0x1  }
0xc0: {  	_ =	sfence.sel $0xFFFF  }
0xc1: {  	[dreg:$0x0] =	wrdreg $0xFFFFFFFF;
	(pc) =	sbr.abs _section_cstart, $3  }
0xc2: {  	[dreg:$0x1] =	wrdreg $0xFFFFFFFF  }
0xc3: {  	_ =	task.clear_ibuf [dreg:s8], $0x2FFFF;
	_ =	strace $0x9FFFFFFF  }
0xc4: {  	(tm) =	ssettm $0x7FFFFFFF  }
0xc5: {  	_ =	shalt  }
tec
execute0_lowered:
.L_overlay_start_1:
0x0: {  	(tag) =	ssettag $0x1  }
0x1: {  	s5 =	rddreg [dreg:$0x0]  }
0x2: {  	s4 =	rddreg [dreg:$0x1]  }
0x3: {  	s2 =	rddreg [dreg:$0x2]  }
0x4: {  	s3 =	srdreg.scid;
	s1 =	stileid.u32  }
0x5: {  	s0 =	rddreg [dreg:$0x3];
	s10 =	simm.s32 $0x4100;
	s11 =	simm.s32 $0x1  }
0x6: {  	s12 =	simm.s32 $0xE100;
	s13 =	simm.s32 $0x0;
	s6 =	sand.u32 $0x1, s3  }
0x7: {  	s7 =	sshll.u32 s1, $0x1;
	s3 =	simm.s32 $0x0;
	s4 =	sadd.s32 $0x27AC800, s4  }
0x8: {  	s8 =	ssub.s32 $0x2, s6;
	s6 =	sor.u32 s6, s7;
	[smem:$0x7FF] =	sst s3  }
0x9: {  	s31 =	sshrl.u32 s8, $0x1;
	s9 =	smul.u32 $0x820, s6;
	_ =	strace $0x80000047  }
0xa: {  	s6 =	sshll.u32 s6, $0x8;
	s7 =	ssub.s32 s8, s31;
	s8 =	simm.s32 $0x2  }
0xb: {  	s5 =	sadd.s32 s5, s9;
	s7 =	smax.u32 s7, $0x1;
	s9 =	simm.s32 $0x140  }
.LBB2_1:
0xc: {  	[tilespmem:s3], [sflag:$0x2] =	stream.linear.gather [hbm4b:s5+s3], $0x4100, $0x38;
	[tilespmem:$0xE500] =	vst v63  }
0xd: {  	_ =	swait.ge [sflag:s8], $0x4100  }
0xe: {  	[sflag:s8] =	ssyncset.done $0x0  }
0xf: {  	[sflag:s8] =	ssyncadd.s32 $0xFFFFBF00  }
0x10: {  	v0 =	vld [tilespmem:s9+$0xFFFFFEC0]  }
0x11: {  	v1 =	vld [tilespmem:s9+$0xFFFFFED0]  }
0x12: {  	v2 =	vld [tilespmem:s9+$0xFFFFFEE0]  }
0x13: {  	v3 =	vld [tilespmem:s9+$0xFFFFFEF0]  }
0x14: {  	v4 =	vld [tilespmem:s9+$0xFFFFFF00]  }
0x15: {  	v5 =	vld [tilespmem:s9+$0xFFFFFF10];
	v0 =	vadd.s32 s3, v0  }
0x16: {  	[tilespmem:s9+$0xFFFFFEC0] =	vst v0;
	v0 =	vadd.s32 s3, v1;
	v1 =	vld [tilespmem:s9+$0xFFFFFF20]  }
0x17: {  	[tilespmem:s9+$0xFFFFFED0] =	vst v0;
	v0 =	vadd.s32 s3, v2;
	v2 =	vld [tilespmem:s9+$0xFFFFFF30]  }
0x18: {  	[tilespmem:s9+$0xFFFFFEE0] =	vst v0;
	v0 =	vadd.s32 s3, v3;
	v3 =	vld [tilespmem:s9+$0xFFFFFF40]  }
0x19: {  	[tilespmem:s9+$0xFFFFFEF0] =	vst v0;
	v0 =	vadd.s32 s3, v4;
	v4 =	vld [tilespmem:s9+$0xFFFFFF50]  }
0x1a: {  	[tilespmem:s9+$0xFFFFFF00] =	vst v0;
	v0 =	vadd.s32 s3, v5;
	v5 =	vld [tilespmem:s9+$0xFFFFFF60]  }
0x1b: {  	[tilespmem:s9+$0xFFFFFF10] =	vst v0;
	v0 =	vadd.s32 s3, v1;
	v1 =	vld [tilespmem:s9+$0xFFFFFF70]  }
0x1c: {  	[tilespmem:s9+$0xFFFFFF20] =	vst v0;
	v0 =	vadd.s32 s3, v2;
	v2 =	vld [tilespmem:s9+$0xFFFFFF80]  }
0x1d: {  	[tilespmem:s9+$0xFFFFFF30] =	vst v0;
	v0 =	vadd.s32 s3, v3;
	v3 =	vld [tilespmem:s9+$0xFFFFFF90]  }
0x1e: {  	[tilespmem:s9+$0xFFFFFF40] =	vst v0;
	v0 =	vadd.s32 s3, v4;
	v4 =	vld [tilespmem:s9+$0xFFFFFFA0]  }
0x1f: {  	[tilespmem:s9+$0xFFFFFF50] =	vst v0;
	v0 =	vadd.s32 s3, v5;
	v5 =	vld [tilespmem:s9+$0xFFFFFFB0]  }
0x20: {  	[tilespmem:s9+$0xFFFFFF60] =	vst v0;
	v0 =	vadd.s32 s3, v1;
	v1 =	vld [tilespmem:s9+$0xFFFFFFC0]  }
0x21: {  	[tilespmem:s9+$0xFFFFFF70] =	vst v0;
	v0 =	vadd.s32 s3, v2;
	v2 =	vld [tilespmem:s9+$0xFFFFFFD0]  }
0x22: {  	[tilespmem:s9+$0xFFFFFF80] =	vst v0;
	v0 =	vadd.s32 s3, v3;
	v3 =	vld [tilespmem:s9+$0xFFFFFFE0]  }
0x23: {  	[tilespmem:s9+$0xFFFFFF90] =	vst v0;
	v0 =	vadd.s32 s3, v4;
	v4 =	vld [tilespmem:s9+$0x0]  }
0x24: {  	[tilespmem:s9+$0xFFFFFFA0] =	vst v0;
	v0 =	vadd.s32 s3, v5;
	v5 =	vld [tilespmem:s9+$0x10]  }
0x25: {  	[tilespmem:s9+$0xFFFFFFB0] =	vst v0;
	v0 =	vadd.s32 s3, v1;
	v1 =	vld [tilespmem:s9+$0x20]  }
0x26: {  	[tilespmem:s9+$0xFFFFFFC0] =	vst v0;
	v0 =	vadd.s32 s3, v2;
	v2 =	vld [tilespmem:s9+$0x30]  }
0x27: {  	[tilespmem:s9+$0xFFFFFFD0] =	vst v0;
	v0 =	vadd.s32 s3, v3;
	v3 =	vld [tilespmem:s9+$0x40]  }
0x28: {  	[tilespmem:s9+$0xFFFFFFE0] =	vst v0;
	v0 =	vadd.s32 s3, v4;
	v4 =	vld [tilespmem:s9+$0x50]  }
0x29: {  	[tilespmem:s9+$0x0] =	vst v0;
	v0 =	vadd.s32 s3, v5;
	v5 =	vld [tilespmem:s9+$0x60]  }
0x2a: {  	[tilespmem:s9+$0x10] =	vst v0;
	v0 =	vadd.s32 s3, v1;
	v1 =	vld [tilespmem:s9+$0x70]  }
0x2b: {  	[tilespmem:s9+$0x20] =	vst v0;
	v0 =	vadd.s32 s3, v2;
	v2 =	vld [tilespmem:s9+$0x80]  }
0x2c: {  	[tilespmem:s9+$0x30] =	vst v0;
	v0 =	vadd.s32 s3, v3;
	v3 =	vld [tilespmem:s9+$0x90]  }
0x2d: {  	[tilespmem:s9+$0x40] =	vst v0;
	v0 =	vadd.s32 s3, v4;
	v4 =	vld [tilespmem:s9+$0xA0]  }
0x2e: {  	[tilespmem:s9+$0x50] =	vst v0;
	v0 =	vadd.s32 s3, v5;
	v5 =	vld [tilespmem:s9+$0xB0]  }
0x2f: {  	v6 =	vld [tilespmem:s9+$0xC0];
	[tilespmem:s9+$0x60] =	vst v0;
	v0 =	vadd.s32 s3, v1  }
0x30: {  	v7 =	vld [tilespmem:s9+$0xD0];
	[tilespmem:s9+$0x70] =	vst v0;
	v0 =	vadd.s32 s3, v2  }
0x31: {  	v8 =	vld [tilespmem:s9+$0xE0];
	[tilespmem:s9+$0x80] =	vst v0;
	v0 =	vadd.s32 s3, v3  }
0x32: {  	[tilespmem:s9+$0x90] =	vst v0;
	v1 =	vadd.s32 s3, v4;
	v0 =	vld [tilespmem:s9+$0xF0]  }
0x33: {  	[tilespmem:s9+$0xA0] =	vst v1;
	v2 =	vadd.s32 s3, v5;
	v1 =	vld [tilespmem:s9+$0x100]  }
0x34: {  	v3 =	vadd.s32 s3, v6;
	[tilespmem:s9+$0xB0] =	vst v2;
	v2 =	vld [tilespmem:s9+$0x110]  }
0x35: {  	s16 =	simm.s32 $0x186A0;
	[tilespmem:s9+$0xC0] =	vst v3;
	v4 =	vadd.s32 s3, v7;
	v3 =	vld [tilespmem:s9+$0x120]  }
0x36: {  	s14 =	simm.s32 $0x140;
	s15 =	simm.s32 $0x0;
	s17 =	simm.s32 $0x140;
	[tilespmem:s9+$0xD0] =	vst v4;
	v5 =	vadd.s32 s3, v8;
	v4 =	vld [tilespmem:s9+$0x130]  }
.LBB2_2:
0x37: {  	p0 =	sne.s32 s16, $0x2625A0;
	v6 =	vld [tilespmem:s14+$0xFFFFFFF0];
	[tilespmem:s14+$0xE0] =	vst v5;
	v0 =	vadd.s32 s15, v0;
	s17 =	sadd.s32 $0x280, s17  }
0x38: {  	v5 =	vld [tilespmem:s17+$0xFFFFFEC0];
	[tilespmem:s14+$0xF0] =	vst v0;
	v0 =	vadd.s32 s15, v1  }
0x39: {  	v1 =	vld [tilespmem:s17+$0xFFFFFED0];
	[tilespmem:s14+$0x100] =	vst v0;
	v0 =	vadd.s32 s15, v2  }
0x3a: {  	v2 =	vld [tilespmem:s17+$0xFFFFFEE0];
	[tilespmem:s14+$0x110] =	vst v0;
	v0 =	vadd.s32 s15, v3  }
0x3b: {  	v3 =	vld [tilespmem:s17+$0xFFFFFEF0];
	[tilespmem:s14+$0x120] =	vst v0;
	v0 =	vadd.s32 s15, v4  }
0x3c: {  	v4 =	vld [tilespmem:s17+$0xFFFFFF00];
	v6 =	vadd.s32 s15, v6;
	[tilespmem:s14+$0x130] =	vst v0;
	s15 =	smov.u32 s16  }
0x3d: {  	v0 =	vadd.s32 s16, v5;
	v5 =	vld [tilespmem:s17+$0xFFFFFF10];
	[tilespmem:s14+$0xFFFFFFF0] =	vst v6;
	s14 =	smov.u32 s17  }
0x3e: {  	[tilespmem:s17+$0xFFFFFEC0] =	vst v0;
	v0 =	vadd.s32 s16, v1;
	v1 =	vld [tilespmem:s17+$0xFFFFFF20]  }
0x3f: {  	[tilespmem:s17+$0xFFFFFED0] =	vst v0;
	v0 =	vadd.s32 s16, v2;
	v2 =	vld [tilespmem:s17+$0xFFFFFF30]  }
0x40: {  	[tilespmem:s17+$0xFFFFFEE0] =	vst v0;
	v0 =	vadd.s32 s16, v3;
	v3 =	vld [tilespmem:s17+$0xFFFFFF40]  }
0x41: {  	[tilespmem:s17+$0xFFFFFEF0] =	vst v0;
	v0 =	vadd.s32 s16, v4;
	v4 =	vld [tilespmem:s17+$0xFFFFFF50]  }
0x42: {  	[tilespmem:s17+$0xFFFFFF00] =	vst v0;
	v0 =	vadd.s32 s16, v5;
	v5 =	vld [tilespmem:s17+$0xFFFFFF60]  }
0x43: {  	[tilespmem:s17+$0xFFFFFF10] =	vst v0;
	v0 =	vadd.s32 s16, v1;
	v1 =	vld [tilespmem:s17+$0xFFFFFF70]  }
0x44: {  	[tilespmem:s17+$0xFFFFFF20] =	vst v0;
	v0 =	vadd.s32 s16, v2;
	v2 =	vld [tilespmem:s17+$0xFFFFFF80]  }
0x45: {  	[tilespmem:s17+$0xFFFFFF30] =	vst v0;
	v0 =	vadd.s32 s16, v3;
	v3 =	vld [tilespmem:s17+$0xFFFFFF90]  }
0x46: {  	[tilespmem:s17+$0xFFFFFF40] =	vst v0;
	v0 =	vadd.s32 s16, v4;
	v4 =	vld [tilespmem:s17+$0xFFFFFFA0]  }
0x47: {  	[tilespmem:s17+$0xFFFFFF50] =	vst v0;
	v0 =	vadd.s32 s16, v5;
	v5 =	vld [tilespmem:s17+$0xFFFFFFB0]  }
0x48: {  	[tilespmem:s17+$0xFFFFFF60] =	vst v0;
	v0 =	vadd.s32 s16, v1;
	v1 =	vld [tilespmem:s17+$0xFFFFFFC0]  }
0x49: {  	[tilespmem:s17+$0xFFFFFF70] =	vst v0;
	v0 =	vadd.s32 s16, v2;
	v2 =	vld [tilespmem:s17+$0xFFFFFFD0]  }
0x4a: {  	[tilespmem:s17+$0xFFFFFF80] =	vst v0;
	v0 =	vadd.s32 s16, v3;
	v3 =	vld [tilespmem:s17+$0xFFFFFFE0]  }
0x4b: {  	[tilespmem:s17+$0xFFFFFF90] =	vst v0;
	v0 =	vadd.s32 s16, v4;
	v4 =	vld [tilespmem:s17+$0x0]  }
0x4c: {  	[tilespmem:s17+$0xFFFFFFA0] =	vst v0;
	v0 =	vadd.s32 s16, v5;
	v5 =	vld [tilespmem:s17+$0x10]  }
0x4d: {  	[tilespmem:s17+$0xFFFFFFB0] =	vst v0;
	v0 =	vadd.s32 s16, v1;
	v1 =	vld [tilespmem:s17+$0x20]  }
0x4e: {  	[tilespmem:s17+$0xFFFFFFC0] =	vst v0;
	v0 =	vadd.s32 s16, v2;
	v2 =	vld [tilespmem:s17+$0x30]  }
0x4f: {  	[tilespmem:s17+$0xFFFFFFD0] =	vst v0;
	v0 =	vadd.s32 s16, v3;
	v3 =	vld [tilespmem:s17+$0x40]  }
0x50: {  	[tilespmem:s17+$0xFFFFFFE0] =	vst v0;
	v0 =	vadd.s32 s16, v4;
	v4 =	vld [tilespmem:s17+$0x50]  }
0x51: {  	[tilespmem:s17+$0x0] =	vst v0;
	v0 =	vadd.s32 s16, v5;
	v5 =	vld [tilespmem:s17+$0x60]  }
0x52: {  	[tilespmem:s17+$0x10] =	vst v0;
	v0 =	vadd.s32 s16, v1;
	v1 =	vld [tilespmem:s17+$0x70]  }
0x53: {  	[tilespmem:s17+$0x20] =	vst v0;
	v0 =	vadd.s32 s16, v2;
	v2 =	vld [tilespmem:s17+$0x80]  }
0x54: {  	[tilespmem:s17+$0x30] =	vst v0;
	v0 =	vadd.s32 s16, v3;
	v3 =	vld [tilespmem:s17+$0x90]  }
0x55: {  	[tilespmem:s17+$0x40] =	vst v0;
	v0 =	vadd.s32 s16, v4;
	v4 =	vld [tilespmem:s17+$0xA0]  }
0x56: {  	[tilespmem:s17+$0x50] =	vst v0;
	v0 =	vadd.s32 s16, v5;
	v5 =	vld [tilespmem:s17+$0xB0]  }
0x57: {  	[tilespmem:s17+$0x60] =	vst v0;
	v0 =	vadd.s32 s16, v1;
	v6 =	vld [tilespmem:s17+$0xC0]  }
0x58: {  	[tilespmem:s17+$0x70] =	vst v0;
	v0 =	vadd.s32 s16, v2;
	v7 =	vld [tilespmem:s17+$0xD0]  }
0x59: {  	[tilespmem:s17+$0x80] =	vst v0;
	v0 =	vadd.s32 s16, v3;
	v8 =	vld [tilespmem:s17+$0xE0]  }
.Ltmp0:
0x5a: {  	[tilespmem:s17+$0x90] =	vst v0;
	v1 =	vadd.s32 s16, v4;
	v0 =	vld [tilespmem:s17+$0xF0];
	(pc) =	sbr.rel @p0 .LBB2_2-.Ltmp0, $4  }
0x5b: {  	[tilespmem:s17+$0xA0] =	vst v1;
	v2 =	vadd.s32 s16, v5;
	v1 =	vld [tilespmem:s17+$0x100]  }
0x5c: {  	[tilespmem:s17+$0xB0] =	vst v2;
	v3 =	vadd.s32 s16, v6;
	v2 =	vld [tilespmem:s17+$0x110]  }
0x5d: {  	[tilespmem:s17+$0xC0] =	vst v3;
	v4 =	vadd.s32 s16, v7;
	v3 =	vld [tilespmem:s17+$0x120]  }
0x5e: {  	s16 =	sadd.s32 $0x186A0, s16;
	[tilespmem:s17+$0xD0] =	vst v4;
	v5 =	vadd.s32 s15, v8;
	v4 =	vld [tilespmem:s17+$0x130]  }
0x5f: {  	v6 =	vld [tilespmem:s14+$0xFFFFFFF0];
	[tilespmem:s14+$0xE0] =	vst v5;
	v0 =	vadd.s32 s15, v0  }
0x60: {  	[tilespmem:s14+$0xF0] =	vst v0;
	v59 =	vadd.s32 s15, v1  }
0x61: {  	[tilespmem:s14+$0x100] =	vst v59;
	v60 =	vadd.s32 s15, v2  }
0x62: {  	[tilespmem:s14+$0x110] =	vst v60;
	v61 =	vadd.s32 s15, v3  }
0x63: {  	[tilespmem:s14+$0x120] =	vst v61;
	v62 =	vadd.s32 s15, v4  }
0x64: {  	v63 =	vadd.s32 s15, v6;
	[tilespmem:s14+$0x130] =	vst v62  }
0x65: {  	p0 =	por $0x0, $0x0;
	s15 =	simm.s32 $0x0;
	[tilespmem:s14+$0xFFFFFFF0] =	vst v63  }
0x66: {  	[tilespmem:s10], [sflag:$0x1] =	stream.indirect.gather [hbm4b:s4+s9], $0x40, s15, s9, $0xb8;
	[tilespmem:$0xE500] =	vst v63  }
.LBB2_4:
0x67: {  	s14 =	simm.s32 $0x1  }
0x68: {  	s16 =	sand.u32 $0x1, s15;
	p1 =	seq.s32 s15, $0x33;
	s14 =	simm.s32 @!p0 $0x0  }
0x69: {  	s18 =	sxor.u32 @!p1 $0x1, s16;
	s17 =	smul.u32 $0x14000, s14  }
0x6a: {  	_ =	swait.ge [sflag:s11], $0x5000;
	s14 =	sadd.s32 $0x1, s15;
	s18 =	smul.u32 @!p1 $0x14000, s18  }
0x6b: {  	[sflag:s11] =	ssyncset.done $0x0;
	s20 =	simm.s32 @!p1 $0x140;
	s19 =	smul.u32 @!p1 $0x500, s14  }
0x6c: {  	[sflag:s11] =	ssyncadd.s32 $0xFFFFB000;
	s17 =	sshrl.u32 s17, $0x2;
	s18 =	sshrl.u32 @!p1 s18, $0x2  }
0x6d: {  	s17 =	sadd.s32 $0x4380, s17;
	s18 =	sadd.s32 @!p1 $0x4100, s18;
	s19 =	sshra.s32 @!p1 s19, $0x2  }
0x6e: {  	[tilespmem:s18], [sflag:$0x1] =	stream.indirect.gather @!p1 [hbm4b:s4+s20], $0x40, s19, s20, $0xb8;
	[tilespmem:$0xE500] =	vst v63  }
0x6f: {  	v0 =	vld [tilespmem:s17+$0xFFFFFDC0]  }
0x70: {  	v1 =	vld [tilespmem:s17+$0xFFFFFD80];
	_ =	sdelay $0x1  }
0x71: {  	v2 =	vld [tilespmem:s17+$0xFFFFFE00];
	_ =	sdelay $0x1  }
0x72: {  	v3 =	vld [tilespmem:s17+$0xFFFFFE40]  }
0x73: {  	v0 =	vadd.f32 v0, v1  }
0x74: {  	v1 =	vld [tilespmem:s17+$0xFFFFFE80]  }
0x75: {  	v0 =	vadd.f32 v2, v0  }
0x76: {  	v2 =	vld [tilespmem:s17+$0xFFFFFEC0]  }
0x77: {  	v0 =	vadd.f32 v3, v0  }
0x78: {  	v3 =	vld [tilespmem:s17+$0xFFFFFF00]  }
0x79: {  	v0 =	vadd.f32 v1, v0  }
0x7a: {  	v1 =	vld [tilespmem:s17+$0xFFFFFF40]  }
0x7b: {  	v0 =	vadd.f32 v2, v0  }
0x7c: {  	v2 =	vld [tilespmem:s17+$0xFFFFFF80]  }
0x7d: {  	v0 =	vadd.f32 v3, v0  }
0x7e: {  	v3 =	vld [tilespmem:s17+$0xFFFFFFC0]  }
0x7f: {  	v0 =	vadd.f32 v1, v0  }
0x80: {  	v1 =	vld [tilespmem:s17+$0x0]  }
0x81: {  	v0 =	vadd.f32 v2, v0  }
0x82: {  	v2 =	vld [tilespmem:s17+$0x40]  }
0x83: {  	v0 =	vadd.f32 v3, v0  }
0x84: {  	v3 =	vld [tilespmem:s17+$0x80]  }
0x85: {  	v0 =	vadd.f32 v1, v0  }
0x86: {  	v1 =	vld [tilespmem:s17+$0xC0]  }
0x87: {  	v0 =	vadd.f32 v2, v0  }
0x88: {  	v2 =	vld [tilespmem:s17+$0x100]  }
0x89: {  	v0 =	vadd.f32 v3, v0  }
0x8a: {  	v3 =	vld [tilespmem:s17+$0x140]  }
0x8b: {  	v0 =	vadd.f32 v1, v0  }
0x8c: {  	v1 =	vld [tilespmem:s17+$0x180]  }
0x8d: {  	v0 =	vadd.f32 v2, v0  }
0x8e: {  	v2 =	vld [tilespmem:s17+$0x1C0]  }
0x8f: {  	v0 =	vadd.f32 v3, v0  }
0x90: {  	v3 =	vld [tilespmem:s17+$0x200]  }
0x91: {  	v0 =	vadd.f32 v1, v0  }
0x92: {  	v1 =	vld [tilespmem:s17+$0x240]  }
0x93: {  	v0 =	vadd.f32 v2, v0;
	_ =	sdelay $0x1  }
0x94: {  	v0 =	vadd.f32 v3, v0;
	_ =	sdelay $0x1  }
0x95: {  	v0 =	vadd.f32 v1, v0  }
0x96: {  	s18 =	simm.s32 $0x0  }
0x97: {  	[tilespmem:s18+$0xE100] =	vst v0  }
0x98: {  	v0 =	vld [tilespmem:s17+$0xFFFFFD90]  }
0x99: {  	v1 =	vld [tilespmem:s17+$0xFFFFFDD0];
	_ =	sdelay $0x1  }
0x9a: {  	v2 =	vld [tilespmem:s17+$0xFFFFFE10];
	_ =	sdelay $0x1  }
0x9b: {  	v3 =	vld [tilespmem:s17+$0xFFFFFE50]  }
0x9c: {  	v0 =	vadd.f32 v1, v0  }
0x9d: {  	v1 =	vld [tilespmem:s17+$0xFFFFFE90]  }
0x9e: {  	v0 =	vadd.f32 v2, v0  }
0x9f: {  	v2 =	vld [tilespmem:s17+$0xFFFFFED0]  }
0xa0: {  	v0 =	vadd.f32 v3, v0  }
0xa1: {  	v3 =	vld [tilespmem:s17+$0xFFFFFF10]  }
0xa2: {  	v0 =	vadd.f32 v1, v0  }
0xa3: {  	v1 =	vld [tilespmem:s17+$0xFFFFFF50]  }
0xa4: {  	v0 =	vadd.f32 v2, v0  }
0xa5: {  	v2 =	vld [tilespmem:s17+$0xFFFFFF90]  }
0xa6: {  	v0 =	vadd.f32 v3, v0  }
0xa7: {  	v3 =	vld [tilespmem:s17+$0xFFFFFFD0]  }
0xa8: {  	v0 =	vadd.f32 v1, v0  }
0xa9: {  	v1 =	vld [tilespmem:s17+$0x10]  }
0xaa: {  	v0 =	vadd.f32 v2, v0  }
0xab: {  	v2 =	vld [tilespmem:s17+$0x50]  }
0xac: {  	v0 =	vadd.f32 v3, v0  }
0xad: {  	v3 =	vld [tilespmem:s17+$0x90]  }
0xae: {  	v0 =	vadd.f32 v1, v0  }
0xaf: {  	v1 =	vld [tilespmem:s17+$0xD0]  }
0xb0: {  	v0 =	vadd.f32 v2, v0  }
0xb1: {  	v2 =	vld [tilespmem:s17+$0x110]  }
0xb2: {  	v0 =	vadd.f32 v3, v0  }
0xb3: {  	v3 =	vld [tilespmem:s17+$0x150]  }
0xb4: {  	v0 =	vadd.f32 v1, v0  }
0xb5: {  	v1 =	vld [tilespmem:s17+$0x190]  }
0xb6: {  	v0 =	vadd.f32 v2, v0  }
0xb7: {  	v2 =	vld [tilespmem:s17+$0x1D0]  }
0xb8: {  	v0 =	vadd.f32 v3, v0  }
0xb9: {  	v3 =	vld [tilespmem:s17+$0x210]  }
0xba: {  	v0 =	vadd.f32 v1, v0  }
0xbb: {  	v1 =	vld [tilespmem:s17+$0x250]  }
0xbc: {  	v0 =	vadd.f32 v2, v0;
	_ =	sdelay $0x1  }
0xbd: {  	v0 =	vadd.f32 v3, v0;
	_ =	sdelay $0x1  }
0xbe: {  	v0 =	vadd.f32 v1, v0;
	_ =	sdelay $0x1  }
0xbf: {  	[tilespmem:s18+$0xE110] =	vst v0  }
0xc0: {  	v0 =	vld [tilespmem:s17+$0xFFFFFDA0]  }
0xc1: {  	v1 =	vld [tilespmem:s17+$0xFFFFFDE0];
	_ =	sdelay $0x1  }
0xc2: {  	v2 =	vld [tilespmem:s17+$0xFFFFFE20];
	_ =	sdelay $0x1  }
0xc3: {  	v3 =	vld [tilespmem:s17+$0xFFFFFE60]  }
0xc4: {  	v0 =	vadd.f32 v1, v0  }
0xc5: {  	v1 =	vld [tilespmem:s17+$0xFFFFFEA0]  }
0xc6: {  	v0 =	vadd.f32 v2, v0  }
0xc7: {  	v2 =	vld [tilespmem:s17+$0xFFFFFEE0]  }
0xc8: {  	v0 =	vadd.f32 v3, v0  }
0xc9: {  	v3 =	vld [tilespmem:s17+$0xFFFFFF20]  }
0xca: {  	v0 =	vadd.f32 v1, v0  }
0xcb: {  	v1 =	vld [tilespmem:s17+$0xFFFFFF60]  }
0xcc: {  	v0 =	vadd.f32 v2, v0  }
0xcd: {  	v2 =	vld [tilespmem:s17+$0xFFFFFFA0]  }
0xce: {  	v0 =	vadd.f32 v3, v0  }
0xcf: {  	v3 =	vld [tilespmem:s17+$0xFFFFFFE0]  }
0xd0: {  	v0 =	vadd.f32 v1, v0  }
0xd1: {  	v1 =	vld [tilespmem:s17+$0x20]  }
0xd2: {  	v0 =	vadd.f32 v2, v0  }
0xd3: {  	v2 =	vld [tilespmem:s17+$0x60]  }
0xd4: {  	v0 =	vadd.f32 v3, v0  }
0xd5: {  	v3 =	vld [tilespmem:s17+$0xA0]  }
0xd6: {  	v0 =	vadd.f32 v1, v0  }
0xd7: {  	v1 =	vld [tilespmem:s17+$0xE0]  }
0xd8: {  	v0 =	vadd.f32 v2, v0  }
0xd9: {  	v2 =	vld [tilespmem:s17+$0x120]  }
0xda: {  	v0 =	vadd.f32 v3, v0  }
0xdb: {  	v3 =	vld [tilespmem:s17+$0x160]  }
0xdc: {  	v0 =	vadd.f32 v1, v0  }
0xdd: {  	v1 =	vld [tilespmem:s17+$0x1A0]  }
0xde: {  	v0 =	vadd.f32 v2, v0  }
0xdf: {  	v2 =	vld [tilespmem:s17+$0x1E0]  }
0xe0: {  	v0 =	vadd.f32 v3, v0  }
0xe1: {  	v3 =	vld [tilespmem:s17+$0x220]  }
0xe2: {  	v0 =	vadd.f32 v1, v0  }
0xe3: {  	v1 =	vld [tilespmem:s17+$0x260]  }
0xe4: {  	v0 =	vadd.f32 v2, v0;
	_ =	sdelay $0x1  }
0xe5: {  	v0 =	vadd.f32 v3, v0;
	_ =	sdelay $0x1  }
0xe6: {  	v0 =	vadd.f32 v1, v0;
	_ =	sdelay $0x1  }
0xe7: {  	[tilespmem:s18+$0xE120] =	vst v0  }
0xe8: {  	v0 =	vld [tilespmem:s17+$0xFFFFFDB0]  }
0xe9: {  	v1 =	vld [tilespmem:s17+$0xFFFFFDF0];
	_ =	sdelay $0x1  }
0xea: {  	v2 =	vld [tilespmem:s17+$0xFFFFFE30];
	_ =	sdelay $0x1  }
0xeb: {  	v3 =	vld [tilespmem:s17+$0xFFFFFE70]  }
0xec: {  	v0 =	vadd.f32 v1, v0  }
0xed: {  	v1 =	vld [tilespmem:s17+$0xFFFFFEB0]  }
0xee: {  	v0 =	vadd.f32 v2, v0  }
0xef: {  	v2 =	vld [tilespmem:s17+$0xFFFFFEF0]  }
0xf0: {  	v0 =	vadd.f32 v3, v0  }
0xf1: {  	v3 =	vld [tilespmem:s17+$0xFFFFFF30]  }
0xf2: {  	v0 =	vadd.f32 v1, v0  }
0xf3: {  	v1 =	vld [tilespmem:s17+$0xFFFFFF70]  }
0xf4: {  	v0 =	vadd.f32 v2, v0  }
0xf5: {  	v2 =	vld [tilespmem:s17+$0xFFFFFFB0]  }
0xf6: {  	v0 =	vadd.f32 v3, v0  }
0xf7: {  	v3 =	vld [tilespmem:s17+$0xFFFFFFF0]  }
0xf8: {  	v0 =	vadd.f32 v1, v0  }
0xf9: {  	v1 =	vld [tilespmem:s17+$0x30]  }
0xfa: {  	v0 =	vadd.f32 v2, v0  }
0xfb: {  	v2 =	vld [tilespmem:s17+$0x70]  }
0xfc: {  	v0 =	vadd.f32 v3, v0  }
0xfd: {  	v3 =	vld [tilespmem:s17+$0xB0]  }
0xfe: {  	v0 =	vadd.f32 v1, v0  }
0xff: {  	v1 =	vld [tilespmem:s17+$0xF0]  }
0x100: {  	v0 =	vadd.f32 v2, v0  }
0x101: {  	v2 =	vld [tilespmem:s17+$0x130]  }
0x102: {  	v0 =	vadd.f32 v3, v0  }
0x103: {  	v3 =	vld [tilespmem:s17+$0x170]  }
0x104: {  	v0 =	vadd.f32 v1, v0  }
0x105: {  	v1 =	vld [tilespmem:s17+$0x1B0]  }
0x106: {  	v0 =	vadd.f32 v2, v0;
	_ =	sdelay $0x1  }
0x107: {  	v2 =	vld [tilespmem:s17+$0x1F0];
	v0 =	vadd.f32 v3, v0;
	_ =	sdelay $0x1  }
0x108: {  	v3 =	vadd.f32 v1, v0;
	v1 =	vld [tilespmem:s17+$0x230];
	_ =	sdelay $0x1  }
0x109: {  	v0 =	vld [tilespmem:s17+$0x270]  }
0x10a: {  	s19 =	simm.s32 $0x100;
	v2 =	vadd.f32 v2, v3  }
.LBB2_5:
0x10b: {  	p1 =	sne.s32 s19, $0xF00  }
0x10c: {  	s17 =	sadd.s32 $0x500, s17;
	s20 =	smov.u32 s19;
	s19 =	sadd.s32 $0x100, s19;
	v1 =	vadd.f32 v1, v2  }
0x10d: {  	_ = 	snop  }
0x10e: {  	v0 =	vadd.f32 v0, v1;
	_ =	sdelay $0x1  }
0x10f: {  	[tilespmem:s18+$0xE130] =	vst v0  }
0x110: {  	v0 =	vld [tilespmem:s17+$0xFFFFFDC0]  }
0x111: {  	v1 =	vld [tilespmem:s17+$0xFFFFFD80];
	_ =	sdelay $0x1  }
0x112: {  	v2 =	vld [tilespmem:s17+$0xFFFFFE00];
	_ =	sdelay $0x1  }
0x113: {  	v3 =	vld [tilespmem:s17+$0xFFFFFE40]  }
0x114: {  	v0 =	vadd.f32 v0, v1  }
0x115: {  	v1 =	vld [tilespmem:s17+$0xFFFFFE80]  }
0x116: {  	v0 =	vadd.f32 v2, v0  }
0x117: {  	v2 =	vld [tilespmem:s17+$0xFFFFFEC0]  }
0x118: {  	v0 =	vadd.f32 v3, v0  }
0x119: {  	v3 =	vld [tilespmem:s17+$0xFFFFFF00]  }
0x11a: {  	v0 =	vadd.f32 v1, v0  }
0x11b: {  	v1 =	vld [tilespmem:s17+$0xFFFFFF40]  }
0x11c: {  	v0 =	vadd.f32 v2, v0  }
0x11d: {  	v2 =	vld [tilespmem:s17+$0xFFFFFF80]  }
0x11e: {  	v0 =	vadd.f32 v3, v0  }
0x11f: {  	v3 =	vld [tilespmem:s17+$0xFFFFFFC0]  }
0x120: {  	v0 =	vadd.f32 v1, v0  }
0x121: {  	v1 =	vld [tilespmem:s17+$0x0]  }
0x122: {  	v0 =	vadd.f32 v2, v0  }
0x123: {  	v2 =	vld [tilespmem:s17+$0x40]  }
0x124: {  	v0 =	vadd.f32 v3, v0  }
0x125: {  	v3 =	vld [tilespmem:s17+$0x80]  }
0x126: {  	v0 =	vadd.f32 v1, v0  }
0x127: {  	v1 =	vld [tilespmem:s17+$0xC0]  }
0x128: {  	v0 =	vadd.f32 v2, v0  }
0x129: {  	v2 =	vld [tilespmem:s17+$0x100]  }
0x12a: {  	v0 =	vadd.f32 v3, v0  }
0x12b: {  	v3 =	vld [tilespmem:s17+$0x140]  }
0x12c: {  	v0 =	vadd.f32 v1, v0  }
0x12d: {  	v1 =	vld [tilespmem:s17+$0x180]  }
0x12e: {  	v0 =	vadd.f32 v2, v0  }
0x12f: {  	v2 =	vld [tilespmem:s17+$0x1C0]  }
0x130: {  	v0 =	vadd.f32 v3, v0  }
0x131: {  	v3 =	vld [tilespmem:s17+$0x200]  }
0x132: {  	v0 =	vadd.f32 v1, v0  }
0x133: {  	v1 =	vld [tilespmem:s17+$0x240]  }
0x134: {  	v0 =	vadd.f32 v2, v0;
	_ =	sdelay $0x1  }
0x135: {  	v0 =	vadd.f32 v3, v0;
	_ =	sdelay $0x1  }
0x136: {  	v0 =	vadd.f32 v1, v0  }
0x137: {  	s18 =	sshra.s32 s20, $0x2  }
0x138: {  	[tilespmem:s18+$0xE100] =	vst v0  }
0x139: {  	v0 =	vld [tilespmem:s17+$0xFFFFFD90]  }
0x13a: {  	v1 =	vld [tilespmem:s17+$0xFFFFFDD0];
	_ =	sdelay $0x1  }
0x13b: {  	v2 =	vld [tilespmem:s17+$0xFFFFFE10];
	_ =	sdelay $0x1  }
0x13c: {  	v3 =	vld [tilespmem:s17+$0xFFFFFE50]  }
0x13d: {  	v0 =	vadd.f32 v1, v0  }
0x13e: {  	v1 =	vld [tilespmem:s17+$0xFFFFFE90]  }
0x13f: {  	v0 =	vadd.f32 v2, v0  }
0x140: {  	v2 =	vld [tilespmem:s17+$0xFFFFFED0]  }
0x141: {  	v0 =	vadd.f32 v3, v0  }
0x142: {  	v3 =	vld [tilespmem:s17+$0xFFFFFF10]  }
0x143: {  	v0 =	vadd.f32 v1, v0  }
0x144: {  	v1 =	vld [tilespmem:s17+$0xFFFFFF50]  }
0x145: {  	v0 =	vadd.f32 v2, v0  }
0x146: {  	v2 =	vld [tilespmem:s17+$0xFFFFFF90]  }
0x147: {  	v0 =	vadd.f32 v3, v0  }
0x148: {  	v3 =	vld [tilespmem:s17+$0xFFFFFFD0]  }
0x149: {  	v0 =	vadd.f32 v1, v0  }
0x14a: {  	v1 =	vld [tilespmem:s17+$0x10]  }
0x14b: {  	v0 =	vadd.f32 v2, v0  }
0x14c: {  	v2 =	vld [tilespmem:s17+$0x50]  }
0x14d: {  	v0 =	vadd.f32 v3, v0  }
0x14e: {  	v3 =	vld [tilespmem:s17+$0x90]  }
0x14f: {  	v0 =	vadd.f32 v1, v0  }
0x150: {  	v1 =	vld [tilespmem:s17+$0xD0]  }
0x151: {  	v0 =	vadd.f32 v2, v0  }
0x152: {  	v2 =	vld [tilespmem:s17+$0x110]  }
0x153: {  	v0 =	vadd.f32 v3, v0  }
0x154: {  	v3 =	vld [tilespmem:s17+$0x150]  }
0x155: {  	v0 =	vadd.f32 v1, v0  }
0x156: {  	v1 =	vld [tilespmem:s17+$0x190]  }
0x157: {  	v0 =	vadd.f32 v2, v0  }
0x158: {  	v2 =	vld [tilespmem:s17+$0x1D0]  }
0x159: {  	v0 =	vadd.f32 v3, v0  }
0x15a: {  	v3 =	vld [tilespmem:s17+$0x210]  }
0x15b: {  	v0 =	vadd.f32 v1, v0  }
0x15c: {  	v1 =	vld [tilespmem:s17+$0x250]  }
0x15d: {  	v0 =	vadd.f32 v2, v0;
	_ =	sdelay $0x1  }
0x15e: {  	v0 =	vadd.f32 v3, v0;
	_ =	sdelay $0x1  }
0x15f: {  	v0 =	vadd.f32 v1, v0;
	_ =	sdelay $0x1  }
0x160: {  	[tilespmem:s18+$0xE110] =	vst v0  }
0x161: {  	v0 =	vld [tilespmem:s17+$0xFFFFFDA0]  }
0x162: {  	v1 =	vld [tilespmem:s17+$0xFFFFFDE0];
	_ =	sdelay $0x1  }
0x163: {  	v2 =	vld [tilespmem:s17+$0xFFFFFE20];
	_ =	sdelay $0x1  }
0x164: {  	v3 =	vld [tilespmem:s17+$0xFFFFFE60]  }
0x165: {  	v0 =	vadd.f32 v1, v0  }
0x166: {  	v1 =	vld [tilespmem:s17+$0xFFFFFEA0]  }
0x167: {  	v0 =	vadd.f32 v2, v0  }
0x168: {  	v2 =	vld [tilespmem:s17+$0xFFFFFEE0]  }
0x169: {  	v0 =	vadd.f32 v3, v0  }
0x16a: {  	v3 =	vld [tilespmem:s17+$0xFFFFFF20]  }
0x16b: {  	v0 =	vadd.f32 v1, v0  }
0x16c: {  	v1 =	vld [tilespmem:s17+$0xFFFFFF60]  }
0x16d: {  	v0 =	vadd.f32 v2, v0  }
0x16e: {  	v2 =	vld [tilespmem:s17+$0xFFFFFFA0]  }
0x16f: {  	v0 =	vadd.f32 v3, v0  }
0x170: {  	v3 =	vld [tilespmem:s17+$0xFFFFFFE0]  }
0x171: {  	v0 =	vadd.f32 v1, v0  }
0x172: {  	v1 =	vld [tilespmem:s17+$0x20]  }
0x173: {  	v0 =	vadd.f32 v2, v0  }
0x174: {  	v2 =	vld [tilespmem:s17+$0x60]  }
0x175: {  	v0 =	vadd.f32 v3, v0  }
0x176: {  	v3 =	vld [tilespmem:s17+$0xA0]  }
0x177: {  	v0 =	vadd.f32 v1, v0  }
0x178: {  	v1 =	vld [tilespmem:s17+$0xE0]  }
0x179: {  	v0 =	vadd.f32 v2, v0  }
0x17a: {  	v2 =	vld [tilespmem:s17+$0x120]  }
0x17b: {  	v0 =	vadd.f32 v3, v0  }
0x17c: {  	v3 =	vld [tilespmem:s17+$0x160]  }
0x17d: {  	v0 =	vadd.f32 v1, v0  }
0x17e: {  	v1 =	vld [tilespmem:s17+$0x1A0]  }
0x17f: {  	v0 =	vadd.f32 v2, v0  }
0x180: {  	v2 =	vld [tilespmem:s17+$0x1E0]  }
0x181: {  	v0 =	vadd.f32 v3, v0  }
0x182: {  	v3 =	vld [tilespmem:s17+$0x220]  }
0x183: {  	v0 =	vadd.f32 v1, v0  }
0x184: {  	v1 =	vld [tilespmem:s17+$0x260]  }
0x185: {  	v0 =	vadd.f32 v2, v0;
	_ =	sdelay $0x1  }
0x186: {  	v0 =	vadd.f32 v3, v0;
	_ =	sdelay $0x1  }
0x187: {  	v0 =	vadd.f32 v1, v0;
	_ =	sdelay $0x1  }
0x188: {  	[tilespmem:s18+$0xE120] =	vst v0  }
0x189: {  	v0 =	vld [tilespmem:s17+$0xFFFFFDB0]  }
0x18a: {  	v1 =	vld [tilespmem:s17+$0xFFFFFDF0]  }
0x18b: {  	v2 =	vld [tilespmem:s17+$0xFFFFFE30]  }
0x18c: {  	v3 =	vld [tilespmem:s17+$0xFFFFFE70]  }
0x18d: {  	v4 =	vld [tilespmem:s17+$0xFFFFFEB0]  }
0x18e: {  	v5 =	vld [tilespmem:s17+$0xFFFFFEF0]  }
0x18f: {  	v0 =	vadd.f32 v1, v0;
	v1 =	vld [tilespmem:s17+$0xFFFFFF30]  }
0x190: {  	v6 =	vld [tilespmem:s17+$0xFFFFFF70]  }
0x191: {  	v0 =	vadd.f32 v2, v0;
	v2 =	vld [tilespmem:s17+$0xFFFFFFB0]  }
0x192: {  	v7 =	vld [tilespmem:s17+$0xFFFFFFF0]  }
0x193: {  	v0 =	vadd.f32 v3, v0;
	v3 =	vld [tilespmem:s17+$0x30]  }
0x194: {  	v8 =	vld [tilespmem:s17+$0x70]  }
0x195: {  	v0 =	vadd.f32 v4, v0;
	v4 =	vld [tilespmem:s17+$0xB0]  }
0x196: {  	v9 =	vld [tilespmem:s17+$0xF0]  }
0x197: {  	v0 =	vadd.f32 v5, v0;
	v5 =	vld [tilespmem:s17+$0x130]  }
0x198: {  	v10 =	vld [tilespmem:s17+$0x170]  }
0x199: {  	v0 =	vadd.f32 v1, v0;
	v11 =	vld [tilespmem:s17+$0x1B0]  }
0x19a: {  	v12 =	vld [tilespmem:s17+$0x1F0]  }
0x19b: {  	v6 =	vadd.f32 v6, v0;
	v1 =	vld [tilespmem:s17+$0x230]  }
0x19c: {  	v0 =	vld [tilespmem:s17+$0x270]  }
0x19d: {  	v2 =	vadd.f32 v2, v6;
	_ =	sdelay $0x1  }
0x19e: {  	v2 =	vadd.f32 v7, v2;
	_ =	sdelay $0x1  }
0x19f: {  	v2 =	vadd.f32 v3, v2;
	_ =	sdelay $0x1  }
0x1a0: {  	v2 =	vadd.f32 v8, v2;
	_ =	sdelay $0x1  }
0x1a1: {  	v2 =	vadd.f32 v4, v2;
	_ =	sdelay $0x1  }
0x1a2: {  	v2 =	vadd.f32 v9, v2;
	_ =	sdelay $0x1  }
0x1a3: {  	v2 =	vadd.f32 v5, v2;
	_ =	sdelay $0x1  }
.Ltmp1:
0x1a4: {  	v2 =	vadd.f32 v10, v2;
	(pc) =	sbr.rel @p1 .LBB2_5-.Ltmp1, $3  }
0x1a5: {  	_ = 	snop  }
0x1a6: {  	v2 =	vadd.f32 v11, v2;
	_ =	sdelay $0x1  }
0x1a7: {  	v2 =	vadd.f32 v12, v2  }
0x1a8: {  	_ = 	snop  }
0x1a9: {  	v1 =	vadd.f32 v1, v2  }
0x1aa: {  	s15 =	sshll.u32 s15, $0xC  }
0x1ab: {  	s16 =	sshll.u32 s16, $0x7;
	s15 =	sand.u32 $0x3E000, s15;
	v0 =	vadd.f32 v0, v1  }
0x1ac: {  	p1 =	sne.s32 s14, $0x34;
	s16 =	sor.u32 s6, s16;
	s15 =	sadd.s32 s2, s15  }
.Ltmp2:
0x1ad: {  	s15 =	sadd.s32 s15, s16;
	[tilespmem:s18+$0xE130] =	vst v0;
	(pc) =	sbr.rel @p1 .LBB2_4-.Ltmp2, $4  }
0x1ae: {  	[hbm4b:s15+s3] =	stream.linear.scatter [tilespmem:s12], [sflag:$0x2], $0x400, $0x38;
	[tilespmem:$0xE500] =	vst v63  }
0x1af: {  	_ =	swait.ge [sflag:s8], $0x400  }
0x1b0: {  	[sflag:s8] =	ssyncset.done $0x0  }
0x1b1: {  	p0 =	por !p0, !p0;
	s15 =	smov.u32 s14;
	[sflag:s8] =	ssyncadd.s32 $0xFFFFFC00  }
0x1b2: {  	s13 =	sadd.s32 $0x1, s13  }
0x1b3: {  	p0 =	sne.s32 s13, s7  }
.Ltmp3:
0x1b4: {  	_ = 	snop;
	(pc) =	sbr.rel @p0 .LBB2_1-.Ltmp3, $1  }
0x1b5: {  	_ =	sdelay $0x3  }
0x1b6: {  	_ =	sfence.sel $0x180000  }
0x1b7: {  	[bflag:$0x0] =	sbarrier.arrive $0xFFFF  }
0x1b8: {  	p0 =	sne.s32 s1, $0x0;
	_ =	strace $0x90000047  }
0x1b9: {  	s0 =	sadd.s32 @!p0 $0x100000, s0;
	[bflag:$0x2] =	sbarrier.arrive $0xFFFF  }
0x1ba: {  	[sflag:s0] =	ssyncadd.tile.s32 @!p0 $0x1;
	_ =	shalt  }
.Lfunc_end2:
_tile_overlayer_lowered:
.L_overlay_start_2:
0x1bb: {  	(tag) =	ssettag $0x2  }
0x1bc: {  	s0 =	rddreg [dreg:$0x0];
	s2 =	stileid.u32  }
0x1bd: {  	s1 =	rddreg [dreg:$0x1];
	p0 =	sne.s32 s2, $0x0  }
0x1be: {  	s3 =	rddreg [dreg:$0x2];
	[bflag:$0x3] =	sbarrier.arrive $0xFFFF;
	s2 =	simm.s32 @!p0 $0x1C02  }
0x1bf: {  	[timem:s3], [sflag:s2] =	dma.local @!p0 [hbm:s0], s1  }
0x1c0: {  	s0 =	simm.s32 @!p0 $0x2  }
0x1c1: {  	_ =	swait.ge @!p0 [sflag:s0], s1  }
0x1c2: {  	s1 =	ssub.s32 @!p0 $0x0, s1;
	[sflag:s0] =	ssyncset.done @!p0 $0x0  }
0x1c3: {  	[sflag:s0] =	ssyncadd.s32 @!p0 s1  }
0x1c4: {  	[bflag:$0x3] =	sbarrier.arrive $0xFFFF  }
0x1c5: {  	_ =	shalt  }

</sc_bundles>
